<compile_context>
chip_gen: v7x
topology: tpu7x:2x2x1
jax: 0.10.2.dev20260603
libtpu: 0.0.44.dev20260713+nightly
codegen_flags: <defaults>
</compile_context>

<pallas_src>
import functools

import numpy as np

import jax
import jax.numpy as jnp
from jax import lax
from jax.experimental import pallas as pl
from jax.experimental.pallas import tpu as pltpu
from jax.experimental.pallas import tpu_sc as plsc

BATCH = 64
NUM_PATCHES = 576
PATCH_DIM = 768
PROJ_DIM = 96
NUM_MASK = 432
NUM_UNMASK = 144

NW = 32
U_TOT = BATCH * NUM_UNMASK
U_PER_W = U_TOT // NW
CHUNK = 96


def _threefry2x32(k1, k2, x0, x1):
    r0 = (13, 15, 26, 6)
    r1 = (17, 29, 16, 24)
    ks = (np.uint32(k1), np.uint32(k2),
          np.uint32(k1) ^ np.uint32(k2) ^ np.uint32(0x1BD11BDA))

    def rounds(x0, x1, rots):
        for r in rots:
            x0 = (x0 + x1).astype(np.uint32)
            x1 = (x1 << np.uint32(r)) | (x1 >> np.uint32(32 - r))
            x1 = x0 ^ x1
        return x0, x1

    with np.errstate(over="ignore"):
        x0 = (x0 + ks[0]).astype(np.uint32)
        x1 = (x1 + ks[1]).astype(np.uint32)
        for i, rots in enumerate((r0, r1, r0, r1, r0)):
            x0, x1 = rounds(x0, x1, rots)
            x0 = (x0 + ks[(i + 1) % 3]).astype(np.uint32)
            x1 = (x1 + ks[(i + 2) % 3] + np.uint32(i + 1)).astype(np.uint32)
    return x0, x1


def _masking_indices() -> np.ndarray:
    size = BATCH * NUM_PATCHES
    i64 = np.arange(size, dtype=np.uint64)
    c1 = (i64 >> np.uint64(32)).astype(np.uint32)
    c2 = (i64 & np.uint64(0xFFFFFFFF)).astype(np.uint32)
    b1, b2 = _threefry2x32(np.uint32(0), np.uint32(42), c1, c2)
    bits = (b1 ^ b2).reshape(BATCH, NUM_PATCHES)
    fb = (bits >> np.uint32(9)) | np.uint32(0x3F800000)
    u = np.maximum(np.float32(0), fb.view(np.float32) - np.float32(1.0))
    return np.argsort(u, axis=-1, kind="stable").astype(np.int32)


_RIDX = _masking_indices()
_MIDX = _RIDX[:, :NUM_MASK]
_UIDX = _RIDX[:, NUM_MASK:]
_UIDX_GLOB = np.ascontiguousarray(
    (_UIDX + np.arange(BATCH, dtype=np.int32)[:, None] * NUM_PATCHES)
    .reshape(-1))


def _sc_gather_body(patches_hbm, uidxg_hbm, g_out, uidxg_v, prow_v, sem):
    wid = lax.axis_index("s") * 2 + lax.axis_index("c")
    ubase = wid * U_PER_W
    pltpu.sync_copy(uidxg_hbm.at[pl.ds(ubase, U_PER_W)], uidxg_v)
    for c in range(U_PER_W // CHUNK):
        pltpu.async_copy(
            patches_hbm.at[uidxg_v.at[pl.ds(c * CHUNK, CHUNK)]], prow_v, sem
        ).wait()
        pltpu.sync_copy(prow_v, g_out.at[pl.ds(ubase + c * CHUNK, CHUNK)])


@functools.cache
def _sc_gather():
    mesh = plsc.VectorSubcoreMesh(core_axis_name="c", subcore_axis_name="s")
    return pl.kernel(
        _sc_gather_body,
        out_type=jax.ShapeDtypeStruct((U_TOT, PATCH_DIM), jnp.float32),
        mesh=mesh,
        scratch_types=[
            pltpu.VMEM((U_PER_W,), jnp.int32),
            pltpu.VMEM((CHUNK, PATCH_DIM), jnp.float32),
            pltpu.SemaphoreType.DMA,
        ],
    )


def _pos_plus_t_body(mt_ref, w_ref, bt_ref, pos_ref, out_ref):
    mtwt = lax.dot_general(
        w_ref[...], mt_ref[...], (((0,), (1,)), ((), ())))
    out_ref[...] = jnp.transpose(pos_ref[...]) + (mtwt + bt_ref[...])


_RB = 8
_NSTEP = BATCH // _RB
_PROJ_BLK = 1536


def _onehot_body(ppt_ref, pos_ref, midx_ref, uidx_ref,
                 mt_ref, up_ref, mo_ref, uo_ref):
    iota_m = lax.broadcasted_iota(jnp.int32, (NUM_PATCHES, NUM_MASK), 0)
    iota_u = lax.broadcasted_iota(jnp.int32, (NUM_UNMASK, NUM_PATCHES), 1)
    for r in range(_RB):
        oh_m = (iota_m == midx_ref[r]).astype(jnp.float32)
        mt_ref[r] = jnp.dot(ppt_ref[...], oh_m)
        oh_u = (iota_u == uidx_ref[r].reshape(NUM_UNMASK, 1)).astype(
            jnp.float32)
        up_ref[r] = jnp.dot(oh_u, pos_ref[...])
    mo_ref[...] = midx_ref[...]
    uo_ref[...] = uidx_ref[...]


def _proj_body(x_ref, w_ref, b_ref, o_ref):
    o_ref[...] = jnp.dot(x_ref[...], w_ref[...]) + b_ref[...]


def kernel(patches, W, b, pos_table, mask_token):
    b2 = b.reshape(1, PROJ_DIM)

    pos_plus_t = pl.pallas_call(
        _pos_plus_t_body,
        out_shape=jax.ShapeDtypeStruct((PROJ_DIM, NUM_PATCHES), jnp.float32),
    )(mask_token, W, b.reshape(PROJ_DIM, 1), pos_table)

    g_rows = _sc_gather()(
        patches.reshape(BATCH * NUM_PATCHES, PATCH_DIM),
        jnp.asarray(_UIDX_GLOB))

    mt, up, mo, uo = pl.pallas_call(
        _onehot_body,
        grid=(_NSTEP,),
        in_specs=[
            pl.BlockSpec((PROJ_DIM, NUM_PATCHES), lambda i: (0, 0)),
            pl.BlockSpec((NUM_PATCHES, PROJ_DIM), lambda i: (0, 0)),
            pl.BlockSpec((_RB, 1, NUM_MASK), lambda i: (i, 0, 0)),
            pl.BlockSpec((_RB, 1, NUM_UNMASK), lambda i: (i, 0, 0)),
        ],
        out_specs=[
            pl.BlockSpec((_RB, PROJ_DIM, NUM_MASK), lambda i: (i, 0, 0)),
            pl.BlockSpec((_RB, NUM_UNMASK, PROJ_DIM), lambda i: (i, 0, 0)),
            pl.BlockSpec((_RB, 1, NUM_MASK), lambda i: (i, 0, 0)),
            pl.BlockSpec((_RB, 1, NUM_UNMASK), lambda i: (i, 0, 0)),
        ],
        out_shape=[
            jax.ShapeDtypeStruct((BATCH, PROJ_DIM, NUM_MASK), jnp.float32),
            jax.ShapeDtypeStruct((BATCH, NUM_UNMASK, PROJ_DIM), jnp.float32),
            jax.ShapeDtypeStruct((BATCH, 1, NUM_MASK), jnp.int32),
            jax.ShapeDtypeStruct((BATCH, 1, NUM_UNMASK), jnp.int32),
        ],
    )(pos_plus_t, pos_table,
      jnp.asarray(_MIDX).reshape(BATCH, 1, NUM_MASK),
      jnp.asarray(_UIDX).reshape(BATCH, 1, NUM_UNMASK))
    mask_indices = mo.reshape(BATCH, NUM_MASK)
    unmask_indices = uo.reshape(BATCH, NUM_UNMASK)

    ue = pl.pallas_call(
        _proj_body,
        grid=(U_TOT // _PROJ_BLK,),
        in_specs=[
            pl.BlockSpec((_PROJ_BLK, PATCH_DIM), lambda i: (i, 0)),
            pl.BlockSpec((PATCH_DIM, PROJ_DIM), lambda i: (0, 0)),
            pl.BlockSpec((1, PROJ_DIM), lambda i: (0, 0)),
        ],
        out_specs=pl.BlockSpec((_PROJ_BLK, PROJ_DIM), lambda i: (i, 0)),
        out_shape=jax.ShapeDtypeStruct((U_TOT, PROJ_DIM), jnp.float32),
    )(g_rows, W, b2)

    return (
        ue.reshape(BATCH, NUM_UNMASK, PROJ_DIM),
        jnp.transpose(mt, (0, 2, 1)),
        up,
        mask_indices,
        unmask_indices,
    )

# --- scband reference (transcript-rebuilt; emitter-appended) ---
"""Pipeline reference for scband-masked-patch-encoder-64321430224991 (READ-ONLY COPY).

The authoritative reference and input builder live on the scoring server;
editing this copy changes nothing except your own understanding.
"""

import jax, jax.numpy as jnp
import numpy as np

BATCH = 64
NUM_PATCHES = 576
PATCH_DIM = 768
PROJ_DIM = 96
MASK_PROP = 0.75


def setup_inputs(seed: int = 0) -> dict:
    key = jax.random.key(seed)
    k1, k2, k3, k4 = jax.random.split(key, 4)
    patches = jax.random.normal(k1, (BATCH, NUM_PATCHES, PATCH_DIM), dtype=jnp.float32)
    W = jax.random.normal(k2, (PATCH_DIM, PROJ_DIM), dtype=jnp.float32) * 0.02
    b = jnp.zeros((PROJ_DIM,), dtype=jnp.float32)
    pos_table = jax.random.normal(k3, (NUM_PATCHES, PROJ_DIM), dtype=jnp.float32) * 0.02
    mask_token = jax.random.normal(k4, (1, PATCH_DIM), dtype=jnp.float32)
    return {"patches": patches, "W": W, "b": b, "pos_table": pos_table, "mask_token": mask_token}


def reference(patches, W, b, pos_table, mask_token):
    batch, num_patches, patch_dim = patches.shape
    proj_dim = W.shape[1]
    # PatchEncoder.call: Dense projection + position embedding lookup
    patch_embeddings = patches @ W + b
    positions = jnp.arange(num_patches)
    pos_emb = jnp.take(pos_table, positions, axis=0)
    pos_embeddings = jnp.broadcast_to(pos_emb[None], (batch, num_patches, proj_dim))
    # get_random_indices (mask_proportion is a fixed float -> deterministic num_mask)
    rk = jax.random.key(42)
    rand_indices = jnp.argsort(jax.random.uniform(rk, (batch, num_patches)), axis=-1)
    num_mask = int(num_patches * MASK_PROP)
    mask_indices = rand_indices[:, :num_mask]
    unmask_indices = rand_indices[:, num_mask:]
    # batched gathers (tf.gather with batch_dims=1)
    unmasked_embeddings = jnp.take_along_axis(patch_embeddings, unmask_indices[..., None], axis=1)
    unmasked_positions = jnp.take_along_axis(pos_embeddings, unmask_indices[..., None], axis=1)
    masked_positions = jnp.take_along_axis(pos_embeddings, mask_indices[..., None], axis=1)
    # mask tokens: tile then project through the same Dense layer
    mask_tokens = jnp.repeat(mask_token, num_mask, axis=0)
    mask_tokens = jnp.broadcast_to(mask_tokens[None], (batch, num_mask, patch_dim))
    masked_embeddings = (mask_tokens @ W + b) + masked_positions
    return (unmasked_embeddings, masked_embeddings, unmasked_positions, mask_indices, unmask_indices)

if __name__ == "__main__":
    import jax
    _d = setup_inputs()
    print(jax.jit(kernel)(*tuple(_d.values())))

</pallas_src>

<mosaic_0001>
#map = affine_map<(d0, d1) -> (0, 0)>
#map1 = affine_map<(d0, d1) -> (0)>
module attributes {stable_mosaic.version = 14 : i64} {
  func.func @_sc_gather_body(%arg0: i32, %arg1: i32, %arg2: memref<36864x768xf32, #tpu.memory_space<hbm>>, %arg3: memref<9216xi32, #tpu.memory_space<hbm>>, %arg4: memref<9216x768xf32, #tpu.memory_space<hbm>>, %arg5: memref<288xi32, #tpu.memory_space<vmem>>, %arg6: memref<96x768xf32, #tpu.memory_space<vmem>>, %arg7: memref<!tpu.dma_semaphore, #tpu.memory_space<semaphore_mem>>) attributes {dimension_semantics = [#tpu.dimension_semantics<core_parallel>, #tpu.dimension_semantics<subcore_parallel>], iteration_bounds = array<i64: 2, 16>, scalar_prefetch = 0 : i64, scratch_operands = 3 : i64, tpu.core_type = #tpu.core_type<sc_vector_subcore>, window_params = [{transform_indices = #map}, {transform_indices = #map1}, {transform_indices = #map}]} {
    %mul3A = arith.constant 2 : i32
    %mul3A_0 = arith.muli %arg1, %mul3A : i32
    %add3A = arith.addi %mul3A_0, %arg0 : i32
    %mul3A_1 = arith.constant 288 : i32
    %mul3A_2 = arith.muli %add3A, %mul3A_1 : i32
    "tpu.region"() ({
      %run_scoped3A = tpu.sem_alloc : memref<!tpu.dma_semaphore, #tpu.memory_space<semaphore_mem>>
      %dma_start3A_37 = tpu.memref_slice %arg3[%mul3A_2] : memref<9216xi32, #tpu.memory_space<hbm>> -> memref<288xi32, #tpu.memory_space<hbm>>
      %dma_start3A_38 = tpu.memref_slice %arg3[%mul3A_2] : memref<9216xi32, #tpu.memory_space<hbm>> -> memref<288xi32, #tpu.memory_space<hbm>>
      tpu.enqueue_dma source(%dma_start3A_38 : memref<288xi32, #tpu.memory_space<hbm>>) target(%arg5 : memref<288xi32, #tpu.memory_space<vmem>>) target_semaphore(%run_scoped3A : memref<!tpu.dma_semaphore, #tpu.memory_space<semaphore_mem>>)
      %dma_wait3A_39 = tpu.memref_slice %arg3[%mul3A_2] : memref<9216xi32, #tpu.memory_space<hbm>> -> memref<288xi32, #tpu.memory_space<hbm>>
      %dma_wait3A_40 = tpu.memref_slice %arg3[%mul3A_2] : memref<9216xi32, #tpu.memory_space<hbm>> -> memref<288xi32, #tpu.memory_space<hbm>>
      tpu.wait_dma2 semaphore(%run_scoped3A : memref<!tpu.dma_semaphore, #tpu.memory_space<semaphore_mem>>) src(%dma_wait3A_40 : memref<288xi32, #tpu.memory_space<hbm>>) dst(%arg5 : memref<288xi32, #tpu.memory_space<vmem>>)
      tpu.yield
    }) : () -> ()
    %dma_start3A = arith.constant 0 : i32
    %dma_start3A_3 = tpu.memref_slice %arg5[%dma_start3A] : memref<288xi32, #tpu.memory_space<vmem>> -> memref<96xi32, #tpu.memory_space<vmem>>
    %dma_start3A_4 = arith.constant 0 : i32
    %dma_start3A_5 = arith.constant 0 : i32
    %dma_start3A_6 = tpu.memref_slice %arg2[%dma_start3A_4, %dma_start3A_5] : memref<36864x768xf32, #tpu.memory_space<hbm>> -> memref<36864x768xf32, #tpu.memory_space<hbm>>
    tpu.enqueue_indirect_dma source(%dma_start3A_6 : memref<36864x768xf32, #tpu.memory_space<hbm>>) target(%arg6 : memref<96x768xf32, #tpu.memory_space<vmem>>) offsets(%dma_start3A_3 : memref<96xi32, #tpu.memory_space<vmem>>) semaphore(%arg7 : memref<!tpu.dma_semaphore, #tpu.memory_space<semaphore_mem>>)
    %dma_wait3A = arith.constant 0 : i32
    %dma_wait3A_7 = tpu.memref_slice %arg5[%dma_wait3A] : memref<288xi32, #tpu.memory_space<vmem>> -> memref<96xi32, #tpu.memory_space<vmem>>
    %dma_wait3A_8 = arith.constant 0 : i32
    %dma_wait3A_9 = arith.constant 0 : i32
    %dma_wait3A_10 = tpu.memref_slice %arg2[%dma_wait3A_8, %dma_wait3A_9] : memref<36864x768xf32, #tpu.memory_space<hbm>> -> memref<36864x768xf32, #tpu.memory_space<hbm>>
    tpu.wait_indirect_dma semaphore(%arg7 : memref<!tpu.dma_semaphore, #tpu.memory_space<semaphore_mem>>) src(%dma_wait3A_10 : memref<36864x768xf32, #tpu.memory_space<hbm>>) dst(%arg6 : memref<96x768xf32, #tpu.memory_space<vmem>>)
    %add3A_11 = arith.constant 0 : i32
    %add3A_12 = arith.addi %mul3A_2, %add3A_11 : i32
    "tpu.region"() ({
      %run_scoped3A = tpu.sem_alloc : memref<!tpu.dma_semaphore, #tpu.memory_space<semaphore_mem>>
      %dma_start3A_37 = arith.constant 0 : i32
      %dma_start3A_38 = tpu.memref_slice %arg4[%add3A_12, %dma_start3A_37] : memref<9216x768xf32, #tpu.memory_space<hbm>> -> memref<96x768xf32, #tpu.memory_space<hbm>>
      %dma_start3A_39 = arith.constant 0 : i32
      %dma_start3A_40 = tpu.memref_slice %arg4[%add3A_12, %dma_start3A_39] : memref<9216x768xf32, #tpu.memory_space<hbm>> -> memref<96x768xf32, #tpu.memory_space<hbm>>
      tpu.enqueue_dma source(%arg6 : memref<96x768xf32, #tpu.memory_space<vmem>>) target(%dma_start3A_40 : memref<96x768xf32, #tpu.memory_space<hbm>>) target_semaphore(%run_scoped3A : memref<!tpu.dma_semaphore, #tpu.memory_space<semaphore_mem>>)
      %dma_wait3A_41 = arith.constant 0 : i32
      %dma_wait3A_42 = tpu.memref_slice %arg4[%add3A_12, %dma_wait3A_41] : memref<9216x768xf32, #tpu.memory_space<hbm>> -> memref<96x768xf32, #tpu.memory_space<hbm>>
      %dma_wait3A_43 = arith.constant 0 : i32
      %dma_wait3A_44 = tpu.memref_slice %arg4[%add3A_12, %dma_wait3A_43] : memref<9216x768xf32, #tpu.memory_space<hbm>> -> memref<96x768xf32, #tpu.memory_space<hbm>>
      tpu.wait_dma2 semaphore(%run_scoped3A : memref<!tpu.dma_semaphore, #tpu.memory_space<semaphore_mem>>) src(%arg6 : memref<96x768xf32, #tpu.memory_space<vmem>>) dst(%dma_wait3A_44 : memref<96x768xf32, #tpu.memory_space<hbm>>)
      tpu.yield
    }) : () -> ()
    %dma_start3A_13 = arith.constant 96 : i32
    %dma_start3A_14 = tpu.memref_slice %arg5[%dma_start3A_13] : memref<288xi32, #tpu.memory_space<vmem>> -> memref<96xi32, #tpu.memory_space<vmem>>
    %dma_start3A_15 = arith.constant 0 : i32
    %dma_start3A_16 = arith.constant 0 : i32
    %dma_start3A_17 = tpu.memref_slice %arg2[%dma_start3A_15, %dma_start3A_16] : memref<36864x768xf32, #tpu.memory_space<hbm>> -> memref<36864x768xf32, #tpu.memory_space<hbm>>
    tpu.enqueue_indirect_dma source(%dma_start3A_17 : memref<36864x768xf32, #tpu.memory_space<hbm>>) target(%arg6 : memref<96x768xf32, #tpu.memory_space<vmem>>) offsets(%dma_start3A_14 : memref<96xi32, #tpu.memory_space<vmem>>) semaphore(%arg7 : memref<!tpu.dma_semaphore, #tpu.memory_space<semaphore_mem>>)
    %dma_wait3A_18 = arith.constant 96 : i32
    %dma_wait3A_19 = tpu.memref_slice %arg5[%dma_wait3A_18] : memref<288xi32, #tpu.memory_space<vmem>> -> memref<96xi32, #tpu.memory_space<vmem>>
    %dma_wait3A_20 = arith.constant 0 : i32
    %dma_wait3A_21 = arith.constant 0 : i32
    %dma_wait3A_22 = tpu.memref_slice %arg2[%dma_wait3A_20, %dma_wait3A_21] : memref<36864x768xf32, #tpu.memory_space<hbm>> -> memref<36864x768xf32, #tpu.memory_space<hbm>>
    tpu.wait_indirect_dma semaphore(%arg7 : memref<!tpu.dma_semaphore, #tpu.memory_space<semaphore_mem>>) src(%dma_wait3A_22 : memref<36864x768xf32, #tpu.memory_space<hbm>>) dst(%arg6 : memref<96x768xf32, #tpu.memory_space<vmem>>)
    %add3A_23 = arith.constant 96 : i32
    %add3A_24 = arith.addi %mul3A_2, %add3A_23 : i32
    "tpu.region"() ({
      %run_scoped3A = tpu.sem_alloc : memref<!tpu.dma_semaphore, #tpu.memory_space<semaphore_mem>>
      %dma_start3A_37 = arith.constant 0 : i32
      %dma_start3A_38 = tpu.memref_slice %arg4[%add3A_24, %dma_start3A_37] : memref<9216x768xf32, #tpu.memory_space<hbm>> -> memref<96x768xf32, #tpu.memory_space<hbm>>
      %dma_start3A_39 = arith.constant 0 : i32
      %dma_start3A_40 = tpu.memref_slice %arg4[%add3A_24, %dma_start3A_39] : memref<9216x768xf32, #tpu.memory_space<hbm>> -> memref<96x768xf32, #tpu.memory_space<hbm>>
      tpu.enqueue_dma source(%arg6 : memref<96x768xf32, #tpu.memory_space<vmem>>) target(%dma_start3A_40 : memref<96x768xf32, #tpu.memory_space<hbm>>) target_semaphore(%run_scoped3A : memref<!tpu.dma_semaphore, #tpu.memory_space<semaphore_mem>>)
      %dma_wait3A_41 = arith.constant 0 : i32
      %dma_wait3A_42 = tpu.memref_slice %arg4[%add3A_24, %dma_wait3A_41] : memref<9216x768xf32, #tpu.memory_space<hbm>> -> memref<96x768xf32, #tpu.memory_space<hbm>>
      %dma_wait3A_43 = arith.constant 0 : i32
      %dma_wait3A_44 = tpu.memref_slice %arg4[%add3A_24, %dma_wait3A_43] : memref<9216x768xf32, #tpu.memory_space<hbm>> -> memref<96x768xf32, #tpu.memory_space<hbm>>
      tpu.wait_dma2 semaphore(%run_scoped3A : memref<!tpu.dma_semaphore, #tpu.memory_space<semaphore_mem>>) src(%arg6 : memref<96x768xf32, #tpu.memory_space<vmem>>) dst(%dma_wait3A_44 : memref<96x768xf32, #tpu.memory_space<hbm>>)
      tpu.yield
    }) : () -> ()
    %dma_start3A_25 = arith.constant 192 : i32
    %dma_start3A_26 = tpu.memref_slice %arg5[%dma_start3A_25] : memref<288xi32, #tpu.memory_space<vmem>> -> memref<96xi32, #tpu.memory_space<vmem>>
    %dma_start3A_27 = arith.constant 0 : i32
    %dma_start3A_28 = arith.constant 0 : i32
    %dma_start3A_29 = tpu.memref_slice %arg2[%dma_start3A_27, %dma_start3A_28] : memref<36864x768xf32, #tpu.memory_space<hbm>> -> memref<36864x768xf32, #tpu.memory_space<hbm>>
    tpu.enqueue_indirect_dma source(%dma_start3A_29 : memref<36864x768xf32, #tpu.memory_space<hbm>>) target(%arg6 : memref<96x768xf32, #tpu.memory_space<vmem>>) offsets(%dma_start3A_26 : memref<96xi32, #tpu.memory_space<vmem>>) semaphore(%arg7 : memref<!tpu.dma_semaphore, #tpu.memory_space<semaphore_mem>>)
    %dma_wait3A_30 = arith.constant 192 : i32
    %dma_wait3A_31 = tpu.memref_slice %arg5[%dma_wait3A_30] : memref<288xi32, #tpu.memory_space<vmem>> -> memref<96xi32, #tpu.memory_space<vmem>>
    %dma_wait3A_32 = arith.constant 0 : i32
    %dma_wait3A_33 = arith.constant 0 : i32
    %dma_wait3A_34 = tpu.memref_slice %arg2[%dma_wait3A_32, %dma_wait3A_33] : memref<36864x768xf32, #tpu.memory_space<hbm>> -> memref<36864x768xf32, #tpu.memory_space<hbm>>
    tpu.wait_indirect_dma semaphore(%arg7 : memref<!tpu.dma_semaphore, #tpu.memory_space<semaphore_mem>>) src(%dma_wait3A_34 : memref<36864x768xf32, #tpu.memory_space<hbm>>) dst(%arg6 : memref<96x768xf32, #tpu.memory_space<vmem>>)
    %add3A_35 = arith.constant 192 : i32
    %add3A_36 = arith.addi %mul3A_2, %add3A_35 : i32
    "tpu.region"() ({
      %run_scoped3A = tpu.sem_alloc : memref<!tpu.dma_semaphore, #tpu.memory_space<semaphore_mem>>
      %dma_start3A_37 = arith.constant 0 : i32
      %dma_start3A_38 = tpu.memref_slice %arg4[%add3A_36, %dma_start3A_37] : memref<9216x768xf32, #tpu.memory_space<hbm>> -> memref<96x768xf32, #tpu.memory_space<hbm>>
      %dma_start3A_39 = arith.constant 0 : i32
      %dma_start3A_40 = tpu.memref_slice %arg4[%add3A_36, %dma_start3A_39] : memref<9216x768xf32, #tpu.memory_space<hbm>> -> memref<96x768xf32, #tpu.memory_space<hbm>>
      tpu.enqueue_dma source(%arg6 : memref<96x768xf32, #tpu.memory_space<vmem>>) target(%dma_start3A_40 : memref<96x768xf32, #tpu.memory_space<hbm>>) target_semaphore(%run_scoped3A : memref<!tpu.dma_semaphore, #tpu.memory_space<semaphore_mem>>)
      %dma_wait3A_41 = arith.constant 0 : i32
      %dma_wait3A_42 = tpu.memref_slice %arg4[%add3A_36, %dma_wait3A_41] : memref<9216x768xf32, #tpu.memory_space<hbm>> -> memref<96x768xf32, #tpu.memory_space<hbm>>
      %dma_wait3A_43 = arith.constant 0 : i32
      %dma_wait3A_44 = tpu.memref_slice %arg4[%add3A_36, %dma_wait3A_43] : memref<9216x768xf32, #tpu.memory_space<hbm>> -> memref<96x768xf32, #tpu.memory_space<hbm>>
      tpu.wait_dma2 semaphore(%run_scoped3A : memref<!tpu.dma_semaphore, #tpu.memory_space<semaphore_mem>>) src(%arg6 : memref<96x768xf32, #tpu.memory_space<vmem>>) dst(%dma_wait3A_44 : memref<96x768xf32, #tpu.memory_space<hbm>>)
      tpu.yield
    }) : () -> ()
    return
  }
}

module attributes {stable_mosaic.version = 14 : i64} {
  func.func @_onehot_body(%arg0: i32, %arg1: memref<96x576xf32, #tpu.memory_space<vmem>>, %arg2: memref<576x96xf32, #tpu.memory_space<vmem>>, %arg3: memref<8x1x432xi32, #tpu.memory_space<vmem>>, %arg4: memref<8x1x144xi32, #tpu.memory_space<vmem>>, %arg5: memref<8x96x432xf32, #tpu.memory_space<vmem>>, %arg6: memref<8x144x96xf32, #tpu.memory_space<vmem>>, %arg7: memref<8x1x432xi32, #tpu.memory_space<vmem>>, %arg8: memref<8x1x144xi32, #tpu.memory_space<vmem>>) attributes {dimension_semantics = [#tpu.dimension_semantics<arbitrary>], iteration_bounds = array<i64: 8>, scalar_prefetch = 0 : i64, scratch_operands = 0 : i64, tpu.core_type = #tpu.core_type<tc>, window_params = [{pipeline_mode = #tpu.pipeline_mode<synchronous>, transform_indices = @transform_0, window_bounds = array<i64: 96, 576>}, {pipeline_mode = #tpu.pipeline_mode<synchronous>, transform_indices = @transform_1, window_bounds = array<i64: 576, 96>}, {transform_indices = @transform_2, window_bounds = array<i64: 8, 1, 432>}, {transform_indices = @transform_3, window_bounds = array<i64: 8, 1, 144>}, {transform_indices = @transform_4, window_bounds = array<i64: 8, 96, 432>}, {transform_indices = @transform_5, window_bounds = array<i64: 8, 144, 96>}, {transform_indices = @transform_6, window_bounds = array<i64: 8, 1, 432>}, {transform_indices = @transform_7, window_bounds = array<i64: 8, 1, 144>}]} {
    %iota3A = tpu.iota {dimensions = array<i32: 0>} : vector<576x432xi32>
    %iota3A_0 = tpu.iota {dimensions = array<i32: 1>} : vector<144x576xi32>
    %get3A = arith.constant 0 : index
    %get3A_1 = arith.constant 0 : index
    %get3A_2 = arith.constant 0 : index
    %get3A_3 = vector.load %arg3[%get3A, %get3A_1, %get3A_2] : memref<8x1x432xi32, #tpu.memory_space<vmem>>, vector<1x1x432xi32>
    %get3A_4 = vector.shape_cast %get3A_3 : vector<1x1x432xi32> to vector<1x432xi32>
    %eq3A = vector.broadcast %get3A_4 : vector<1x432xi32> to vector<576x432xi32>
    %eq3A_5 = arith.cmpi eq, %iota3A, %eq3A : vector<576x432xi32>
    %convert_element_type3A = arith.extui %eq3A_5 : vector<576x432xi1> to vector<576x432xi32>
    %convert_element_type3A_6 = arith.sitofp %convert_element_type3A : vector<576x432xi32> to vector<576x432xf32>
    %get3A_7 = arith.constant 0 : index
    %get3A_8 = arith.constant 0 : index
    %get3A_9 = vector.load %arg1[%get3A_7, %get3A_8] : memref<96x576xf32, #tpu.memory_space<vmem>>, vector<96x576xf32>
    %dot_general3A = arith.constant dense<0.000000e+00> : vector<96x432xf32>
    %dot_general3A_10 = tpu.matmul %get3A_9, %convert_element_type3A_6, %dot_general3A {dimension_numbers = #tpu.dot_dimension_numbers<[1], [0], [0], [1], [0, 0, 1, 1], [], []>, transpose_lhs_hint = false} : vector<96x576xf32>, vector<576x432xf32>, vector<96x432xf32> -> vector<96x432xf32>
    %swap3A = arith.constant 0 : index
    %swap3A_11 = arith.constant 0 : index
    %swap3A_12 = arith.constant 0 : index
    %swap3A_13 = vector.load %arg5[%swap3A, %swap3A_11, %swap3A_12] : memref<8x96x432xf32, #tpu.memory_space<vmem>>, vector<1x96x432xf32>
    %swap3A_14 = vector.shape_cast %swap3A_13 : vector<1x96x432xf32> to vector<96x432xf32>
    %swap3A_15 = vector.shape_cast %dot_general3A_10 : vector<96x432xf32> to vector<1x96x432xf32>
    tpu.vector_store %arg5[%swap3A, %swap3A_11, %swap3A_12], %swap3A_15 {strides = array<i32>} : memref<8x96x432xf32, #tpu.memory_space<vmem>>, vector<1x96x432xf32>,
    %get3A_16 = arith.constant 0 : index
    %get3A_17 = arith.constant 0 : index
    %get3A_18 = arith.constant 0 : index
    %get3A_19 = vector.load %arg4[%get3A_16, %get3A_17, %get3A_18] : memref<8x1x144xi32, #tpu.memory_space<vmem>>, vector<1x1x144xi32>
    %get3A_20 = vector.shape_cast %get3A_19 : vector<1x1x144xi32> to vector<1x144xi32>
    %reshape3A = vector.shape_cast %get3A_20 : vector<1x144xi32> to vector<144x1xi32>
    %eq3A_21 = vector.broadcast %reshape3A : vector<144x1xi32> to vector<144x576xi32>
    %eq3A_22 = arith.cmpi eq, %iota3A_0, %eq3A_21 : vector<144x576xi32>
    %convert_element_type3A_23 = arith.extui %eq3A_22 : vector<144x576xi1> to vector<144x576xi32>
    %convert_element_type3A_24 = arith.sitofp %convert_element_type3A_23 : vector<144x576xi32> to vector<144x576xf32>
    %get3A_25 = arith.constant 0 : index
    %get3A_26 = arith.constant 0 : index
    %get3A_27 = vector.load %arg2[%get3A_25, %get3A_26] : memref<576x96xf32, #tpu.memory_space<vmem>>, vector<576x96xf32>
    %dot_general3A_28 = arith.constant dense<0.000000e+00> : vector<144x96xf32>
    %dot_general3A_29 = tpu.matmul %convert_element_type3A_24, %get3A_27, %dot_general3A_28 {dimension_numbers = #tpu.dot_dimension_numbers<[1], [0], [0], [1], [0, 0, 1, 1], [], []>, transpose_lhs_hint = false} : vector<144x576xf32>, vector<576x96xf32>, vector<144x96xf32> -> vector<144x96xf32>
    %swap3A_30 = arith.constant 0 : index
    %swap3A_31 = arith.constant 0 : index
    %swap3A_32 = arith.constant 0 : index
    %swap3A_33 = vector.load %arg6[%swap3A_30, %swap3A_31, %swap3A_32] : memref<8x144x96xf32, #tpu.memory_space<vmem>>, vector<1x144x96xf32>
    %swap3A_34 = vector.shape_cast %swap3A_33 : vector<1x144x96xf32> to vector<144x96xf32>
    %swap3A_35 = vector.shape_cast %dot_general3A_29 : vector<144x96xf32> to vector<1x144x96xf32>
    tpu.vector_store %arg6[%swap3A_30, %swap3A_31, %swap3A_32], %swap3A_35 {strides = array<i32>} : memref<8x144x96xf32, #tpu.memory_space<vmem>>, vector<1x144x96xf32>,
    %get3A_36 = arith.constant 1 : index
    %get3A_37 = arith.constant 0 : index
    %get3A_38 = arith.constant 0 : index
    %get3A_39 = vector.load %arg3[%get3A_36, %get3A_37, %get3A_38] : memref<8x1x432xi32, #tpu.memory_space<vmem>>, vector<1x1x432xi32>
    %get3A_40 = vector.shape_cast %get3A_39 : vector<1x1x432xi32> to vector<1x432xi32>
    %eq3A_41 = vector.broadcast %get3A_40 : vector<1x432xi32> to vector<576x432xi32>
    %eq3A_42 = arith.cmpi eq, %iota3A, %eq3A_41 : vector<576x432xi32>
    %convert_element_type3A_43 = arith.extui %eq3A_42 : vector<576x432xi1> to vector<576x432xi32>
    %convert_element_type3A_44 = arith.sitofp %convert_element_type3A_43 : vector<576x432xi32> to vector<576x432xf32>
    %get3A_45 = arith.constant 0 : index
    %get3A_46 = arith.constant 0 : index
    %get3A_47 = vector.load %arg1[%get3A_45, %get3A_46] : memref<96x576xf32, #tpu.memory_space<vmem>>, vector<96x576xf32>
    %dot_general3A_48 = arith.constant dense<0.000000e+00> : vector<96x432xf32>
    %dot_general3A_49 = tpu.matmul %get3A_47, %convert_element_type3A_44, %dot_general3A_48 {dimension_numbers = #tpu.dot_dimension_numbers<[1], [0], [0], [1], [0, 0, 1, 1], [], []>, transpose_lhs_hint = false} : vector<96x576xf32>, vector<576x432xf32>, vector<96x432xf32> -> vector<96x432xf32>
    %swap3A_50 = arith.constant 1 : index
    %swap3A_51 = arith.constant 0 : index
    %swap3A_52 = arith.constant 0 : index
    %swap3A_53 = vector.load %arg5[%swap3A_50, %swap3A_51, %swap3A_52] : memref<8x96x432xf32, #tpu.memory_space<vmem>>, vector<1x96x432xf32>
    %swap3A_54 = vector.shape_cast %swap3A_53 : vector<1x96x432xf32> to vector<96x432xf32>
    %swap3A_55 = vector.shape_cast %dot_general3A_49 : vector<96x432xf32> to vector<1x96x432xf32>
    tpu.vector_store %arg5[%swap3A_50, %swap3A_51, %swap3A_52], %swap3A_55 {strides = array<i32>} : memref<8x96x432xf32, #tpu.memory_space<vmem>>, vector<1x96x432xf32>,
    %get3A_56 = arith.constant 1 : index
    %get3A_57 = arith.constant 0 : index
    %get3A_58 = arith.constant 0 : index
    %get3A_59 = vector.load %arg4[%get3A_56, %get3A_57, %get3A_58] : memref<8x1x144xi32, #tpu.memory_space<vmem>>, vector<1x1x144xi32>
    %get3A_60 = vector.shape_cast %get3A_59 : vector<1x1x144xi32> to vector<1x144xi32>
    %reshape3A_61 = vector.shape_cast %get3A_60 : vector<1x144xi32> to vector<144x1xi32>
    %eq3A_62 = vector.broadcast %reshape3A_61 : vector<144x1xi32> to vector<144x576xi32>
    %eq3A_63 = arith.cmpi eq, %iota3A_0, %eq3A_62 : vector<144x576xi32>
    %convert_element_type3A_64 = arith.extui %eq3A_63 : vector<144x576xi1> to vector<144x576xi32>
    %convert_element_type3A_65 = arith.sitofp %convert_element_type3A_64 : vector<144x576xi32> to vector<144x576xf32>
    %get3A_66 = arith.constant 0 : index
    %get3A_67 = arith.constant 0 : index
    %get3A_68 = vector.load %arg2[%get3A_66, %get3A_67] : memref<576x96xf32, #tpu.memory_space<vmem>>, vector<576x96xf32>
    %dot_general3A_69 = arith.constant dense<0.000000e+00> : vector<144x96xf32>
    %dot_general3A_70 = tpu.matmul %convert_element_type3A_65, %get3A_68, %dot_general3A_69 {dimension_numbers = #tpu.dot_dimension_numbers<[1], [0], [0], [1], [0, 0, 1, 1], [], []>, transpose_lhs_hint = false} : vector<144x576xf32>, vector<576x96xf32>, vector<144x96xf32> -> vector<144x96xf32>
    %swap3A_71 = arith.constant 1 : index
    %swap3A_72 = arith.constant 0 : index
    %swap3A_73 = arith.constant 0 : index
    %swap3A_74 = vector.load %arg6[%swap3A_71, %swap3A_72, %swap3A_73] : memref<8x144x96xf32, #tpu.memory_space<vmem>>, vector<1x144x96xf32>
    %swap3A_75 = vector.shape_cast %swap3A_74 : vector<1x144x96xf32> to vector<144x96xf32>
    %swap3A_76 = vector.shape_cast %dot_general3A_70 : vector<144x96xf32> to vector<1x144x96xf32>
    tpu.vector_store %arg6[%swap3A_71, %swap3A_72, %swap3A_73], %swap3A_76 {strides = array<i32>} : memref<8x144x96xf32, #tpu.memory_space<vmem>>, vector<1x144x96xf32>,
    %get3A_77 = arith.constant 2 : index
    %get3A_78 = arith.constant 0 : index
    %get3A_79 = arith.constant 0 : index
    %get3A_80 = vector.load %arg3[%get3A_77, %get3A_78, %get3A_79] : memref<8x1x432xi32, #tpu.memory_space<vmem>>, vector<1x1x432xi32>
    %get3A_81 = vector.shape_cast %get3A_80 : vector<1x1x432xi32> to vector<1x432xi32>
    %eq3A_82 = vector.broadcast %get3A_81 : vector<1x432xi32> to vector<576x432xi32>
    %eq3A_83 = arith.cmpi eq, %iota3A, %eq3A_82 : vector<576x432xi32>
    %convert_element_type3A_84 = arith.extui %eq3A_83 : vector<576x432xi1> to vector<576x432xi32>
    %convert_element_type3A_85 = arith.sitofp %convert_element_type3A_84 : vector<576x432xi32> to vector<576x432xf32>
    %get3A_86 = arith.constant 0 : index
    %get3A_87 = arith.constant 0 : index
    %get3A_88 = vector.load %arg1[%get3A_86, %get3A_87] : memref<96x576xf32, #tpu.memory_space<vmem>>, vector<96x576xf32>
    %dot_general3A_89 = arith.constant dense<0.000000e+00> : vector<96x432xf32>
    %dot_general3A_90 = tpu.matmul %get3A_88, %convert_element_type3A_85, %dot_general3A_89 {dimension_numbers = #tpu.dot_dimension_numbers<[1], [0], [0], [1], [0, 0, 1, 1], [], []>, transpose_lhs_hint = false} : vector<96x576xf32>, vector<576x432xf32>, vector<96x432xf32> -> vector<96x432xf32>
    %swap3A_91 = arith.constant 2 : index
    %swap3A_92 = arith.constant 0 : index
    %swap3A_93 = arith.constant 0 : index
    %swap3A_94 = vector.load %arg5[%swap3A_91, %swap3A_92, %swap3A_93] : memref<8x96x432xf32, #tpu.memory_space<vmem>>, vector<1x96x432xf32>
    %swap3A_95 = vector.shape_cast %swap3A_94 : vector<1x96x432xf32> to vector<96x432xf32>
    %swap3A_96 = vector.shape_cast %dot_general3A_90 : vector<96x432xf32> to vector<1x96x432xf32>
    tpu.vector_store %arg5[%swap3A_91, %swap3A_92, %swap3A_93], %swap3A_96 {strides = array<i32>} : memref<8x96x432xf32, #tpu.memory_space<vmem>>, vector<1x96x432xf32>,
    %get3A_97 = arith.constant 2 : index
    %get3A_98 = arith.constant 0 : index
    %get3A_99 = arith.constant 0 : index
    %get3A_100 = vector.load %arg4[%get3A_97, %get3A_98, %get3A_99] : memref<8x1x144xi32, #tpu.memory_space<vmem>>, vector<1x1x144xi32>
    %get3A_101 = vector.shape_cast %get3A_100 : vector<1x1x144xi32> to vector<1x144xi32>
    %reshape3A_102 = vector.shape_cast %get3A_101 : vector<1x144xi32> to vector<144x1xi32>
    %eq3A_103 = vector.broadcast %reshape3A_102 : vector<144x1xi32> to vector<144x576xi32>
    %eq3A_104 = arith.cmpi eq, %iota3A_0, %eq3A_103 : vector<144x576xi32>
    %convert_element_type3A_105 = arith.extui %eq3A_104 : vector<144x576xi1> to vector<144x576xi32>
    %convert_element_type3A_106 = arith.sitofp %convert_element_type3A_105 : vector<144x576xi32> to vector<144x576xf32>
    %get3A_107 = arith.constant 0 : index
    %get3A_108 = arith.constant 0 : index
    %get3A_109 = vector.load %arg2[%get3A_107, %get3A_108] : memref<576x96xf32, #tpu.memory_space<vmem>>, vector<576x96xf32>
    %dot_general3A_110 = arith.constant dense<0.000000e+00> : vector<144x96xf32>
    %dot_general3A_111 = tpu.matmul %convert_element_type3A_106, %get3A_109, %dot_general3A_110 {dimension_numbers = #tpu.dot_dimension_numbers<[1], [0], [0], [1], [0, 0, 1, 1], [], []>, transpose_lhs_hint = false} : vector<144x576xf32>, vector<576x96xf32>, vector<144x96xf32> -> vector<144x96xf32>
    %swap3A_112 = arith.constant 2 : index
    %swap3A_113 = arith.constant 0 : index
    %swap3A_114 = arith.constant 0 : index
    %swap3A_115 = vector.load %arg6[%swap3A_112, %swap3A_113, %swap3A_114] : memref<8x144x96xf32, #tpu.memory_space<vmem>>, vector<1x144x96xf32>
    %swap3A_116 = vector.shape_cast %swap3A_115 : vector<1x144x96xf32> to vector<144x96xf32>
    %swap3A_117 = vector.shape_cast %dot_general3A_111 : vector<144x96xf32> to vector<1x144x96xf32>
    tpu.vector_store %arg6[%swap3A_112, %swap3A_113, %swap3A_114], %swap3A_117 {strides = array<i32>} : memref<8x144x96xf32, #tpu.memory_space<vmem>>, vector<1x144x96xf32>,
    %get3A_118 = arith.constant 3 : index
    %get3A_119 = arith.constant 0 : index
    %get3A_120 = arith.constant 0 : index
    %get3A_121 = vector.load %arg3[%get3A_118, %get3A_119, %get3A_120] : memref<8x1x432xi32, #tpu.memory_space<vmem>>, vector<1x1x432xi32>
    %get3A_122 = vector.shape_cast %get3A_121 : vector<1x1x432xi32> to vector<1x432xi32>
    %eq3A_123 = vector.broadcast %get3A_122 : vector<1x432xi32> to vector<576x432xi32>
    %eq3A_124 = arith.cmpi eq, %iota3A, %eq3A_123 : vector<576x432xi32>
    %convert_element_type3A_125 = arith.extui %eq3A_124 : vector<576x432xi1> to vector<576x432xi32>
    %convert_element_type3A_126 = arith.sitofp %convert_element_type3A_125 : vector<576x432xi32> to vector<576x432xf32>
    %get3A_127 = arith.constant 0 : index
    %get3A_128 = arith.constant 0 : index
    %get3A_129 = vector.load %arg1[%get3A_127, %get3A_128] : memref<96x576xf32, #tpu.memory_space<vmem>>, vector<96x576xf32>
    %dot_general3A_130 = arith.constant dense<0.000000e+00> : vector<96x432xf32>
    %dot_general3A_131 = tpu.matmul %get3A_129, %convert_element_type3A_126, %dot_general3A_130 {dimension_numbers = #tpu.dot_dimension_numbers<[1], [0], [0], [1], [0, 0, 1, 1], [], []>, transpose_lhs_hint = false} : vector<96x576xf32>, vector<576x432xf32>, vector<96x432xf32> -> vector<96x432xf32>
    %swap3A_132 = arith.constant 3 : index
    %swap3A_133 = arith.constant 0 : index
    %swap3A_134 = arith.constant 0 : index
    %swap3A_135 = vector.load %arg5[%swap3A_132, %swap3A_133, %swap3A_134] : memref<8x96x432xf32, #tpu.memory_space<vmem>>, vector<1x96x432xf32>
    %swap3A_136 = vector.shape_cast %swap3A_135 : vector<1x96x432xf32> to vector<96x432xf32>
    %swap3A_137 = vector.shape_cast %dot_general3A_131 : vector<96x432xf32> to vector<1x96x432xf32>
    tpu.vector_store %arg5[%swap3A_132, %swap3A_133, %swap3A_134], %swap3A_137 {strides = array<i32>} : memref<8x96x432xf32, #tpu.memory_space<vmem>>, vector<1x96x432xf32>,
    %get3A_138 = arith.constant 3 : index
    %get3A_139 = arith.constant 0 : index
    %get3A_140 = arith.constant 0 : index
    %get3A_141 = vector.load %arg4[%get3A_138, %get3A_139, %get3A_140] : memref<8x1x144xi32, #tpu.memory_space<vmem>>, vector<1x1x144xi32>
    %get3A_142 = vector.shape_cast %get3A_141 : vector<1x1x144xi32> to vector<1x144xi32>
    %reshape3A_143 = vector.shape_cast %get3A_142 : vector<1x144xi32> to vector<144x1xi32>
    %eq3A_144 = vector.broadcast %reshape3A_143 : vector<144x1xi32> to vector<144x576xi32>
    %eq3A_145 = arith.cmpi eq, %iota3A_0, %eq3A_144 : vector<144x576xi32>
    %convert_element_type3A_146 = arith.extui %eq3A_145 : vector<144x576xi1> to vector<144x576xi32>
    %convert_element_type3A_147 = arith.sitofp %convert_element_type3A_146 : vector<144x576xi32> to vector<144x576xf32>
    %get3A_148 = arith.constant 0 : index
    %get3A_149 = arith.constant 0 : index
    %get3A_150 = vector.load %arg2[%get3A_148, %get3A_149] : memref<576x96xf32, #tpu.memory_space<vmem>>, vector<576x96xf32>
    %dot_general3A_151 = arith.constant dense<0.000000e+00> : vector<144x96xf32>
    %dot_general3A_152 = tpu.matmul %convert_element_type3A_147, %get3A_150, %dot_general3A_151 {dimension_numbers = #tpu.dot_dimension_numbers<[1], [0], [0], [1], [0, 0, 1, 1], [], []>, transpose_lhs_hint = false} : vector<144x576xf32>, vector<576x96xf32>, vector<144x96xf32> -> vector<144x96xf32>
    %swap3A_153 = arith.constant 3 : index
    %swap3A_154 = arith.constant 0 : index
    %swap3A_155 = arith.constant 0 : index
    %swap3A_156 = vector.load %arg6[%swap3A_153, %swap3A_154, %swap3A_155] : memref<8x144x96xf32, #tpu.memory_space<vmem>>, vector<1x144x96xf32>
    %swap3A_157 = vector.shape_cast %swap3A_156 : vector<1x144x96xf32> to vector<144x96xf32>
    %swap3A_158 = vector.shape_cast %dot_general3A_152 : vector<144x96xf32> to vector<1x144x96xf32>
    tpu.vector_store %arg6[%swap3A_153, %swap3A_154, %swap3A_155], %swap3A_158 {strides = array<i32>} : memref<8x144x96xf32, #tpu.memory_space<vmem>>, vector<1x144x96xf32>,
    %get3A_159 = arith.constant 4 : index
    %get3A_160 = arith.constant 0 : index
    %get3A_161 = arith.constant 0 : index
    %get3A_162 = vector.load %arg3[%get3A_159, %get3A_160, %get3A_161] : memref<8x1x432xi32, #tpu.memory_space<vmem>>, vector<1x1x432xi32>
    %get3A_163 = vector.shape_cast %get3A_162 : vector<1x1x432xi32> to vector<1x432xi32>
    %eq3A_164 = vector.broadcast %get3A_163 : vector<1x432xi32> to vector<576x432xi32>
    %eq3A_165 = arith.cmpi eq, %iota3A, %eq3A_164 : vector<576x432xi32>
    %convert_element_type3A_166 = arith.extui %eq3A_165 : vector<576x432xi1> to vector<576x432xi32>
    %convert_element_type3A_167 = arith.sitofp %convert_element_type3A_166 : vector<576x432xi32> to vector<576x432xf32>
    %get3A_168 = arith.constant 0 : index
    %get3A_169 = arith.constant 0 : index
    %get3A_170 = vector.load %arg1[%get3A_168, %get3A_169] : memref<96x576xf32, #tpu.memory_space<vmem>>, vector<96x576xf32>
    %dot_general3A_171 = arith.constant dense<0.000000e+00> : vector<96x432xf32>
    %dot_general3A_172 = tpu.matmul %get3A_170, %convert_element_type3A_167, %dot_general3A_171 {dimension_numbers = #tpu.dot_dimension_numbers<[1], [0], [0], [1], [0, 0, 1, 1], [], []>, transpose_lhs_hint = false} : vector<96x576xf32>, vector<576x432xf32>, vector<96x432xf32> -> vector<96x432xf32>
    %swap3A_173 = arith.constant 4 : index
    %swap3A_174 = arith.constant 0 : index
    %swap3A_175 = arith.constant 0 : index
    %swap3A_176 = vector.load %arg5[%swap3A_173, %swap3A_174, %swap3A_175] : memref<8x96x432xf32, #tpu.memory_space<vmem>>, vector<1x96x432xf32>
    %swap3A_177 = vector.shape_cast %swap3A_176 : vector<1x96x432xf32> to vector<96x432xf32>
    %swap3A_178 = vector.shape_cast %dot_general3A_172 : vector<96x432xf32> to vector<1x96x432xf32>
    tpu.vector_store %arg5[%swap3A_173, %swap3A_174, %swap3A_175], %swap3A_178 {strides = array<i32>} : memref<8x96x432xf32, #tpu.memory_space<vmem>>, vector<1x96x432xf32>,
    %get3A_179 = arith.constant 4 : index
    %get3A_180 = arith.constant 0 : index
    %get3A_181 = arith.constant 0 : index
    %get3A_182 = vector.load %arg4[%get3A_179, %get3A_180, %get3A_181] : memref<8x1x144xi32, #tpu.memory_space<vmem>>, vector<1x1x144xi32>
    %get3A_183 = vector.shape_cast %get3A_182 : vector<1x1x144xi32> to vector<1x144xi32>
    %reshape3A_184 = vector.shape_cast %get3A_183 : vector<1x144xi32> to vector<144x1xi32>
    %eq3A_185 = vector.broadcast %reshape3A_184 : vector<144x1xi32> to vector<144x576xi32>
    %eq3A_186 = arith.cmpi eq, %iota3A_0, %eq3A_185 : vector<144x576xi32>
    %convert_element_type3A_187 = arith.extui %eq3A_186 : vector<144x576xi1> to vector<144x576xi32>
    %convert_element_type3A_188 = arith.sitofp %convert_element_type3A_187 : vector<144x576xi32> to vector<144x576xf32>
    %get3A_189 = arith.constant 0 : index
    %get3A_190 = arith.constant 0 : index
    %get3A_191 = vector.load %arg2[%get3A_189, %get3A_190] : memref<576x96xf32, #tpu.memory_space<vmem>>, vector<576x96xf32>
    %dot_general3A_192 = arith.constant dense<0.000000e+00> : vector<144x96xf32>
    %dot_general3A_193 = tpu.matmul %convert_element_type3A_188, %get3A_191, %dot_general3A_192 {dimension_numbers = #tpu.dot_dimension_numbers<[1], [0], [0], [1], [0, 0, 1, 1], [], []>, transpose_lhs_hint = false} : vector<144x576xf32>, vector<576x96xf32>, vector<144x96xf32> -> vector<144x96xf32>
    %swap3A_194 = arith.constant 4 : index
    %swap3A_195 = arith.constant 0 : index
    %swap3A_196 = arith.constant 0 : index
    %swap3A_197 = vector.load %arg6[%swap3A_194, %swap3A_195, %swap3A_196] : memref<8x144x96xf32, #tpu.memory_space<vmem>>, vector<1x144x96xf32>
    %swap3A_198 = vector.shape_cast %swap3A_197 : vector<1x144x96xf32> to vector<144x96xf32>
    %swap3A_199 = vector.shape_cast %dot_general3A_193 : vector<144x96xf32> to vector<1x144x96xf32>
    tpu.vector_store %arg6[%swap3A_194, %swap3A_195, %swap3A_196], %swap3A_199 {strides = array<i32>} : memref<8x144x96xf32, #tpu.memory_space<vmem>>, vector<1x144x96xf32>,
    %get3A_200 = arith.constant 5 : index
    %get3A_201 = arith.constant 0 : index
    %get3A_202 = arith.constant 0 : index
    %get3A_203 = vector.load %arg3[%get3A_200, %get3A_201, %get3A_202] : memref<8x1x432xi32, #tpu.memory_space<vmem>>, vector<1x1x432xi32>
    %get3A_204 = vector.shape_cast %get3A_203 : vector<1x1x432xi32> to vector<1x432xi32>
    %eq3A_205 = vector.broadcast %get3A_204 : vector<1x432xi32> to vector<576x432xi32>
    %eq3A_206 = arith.cmpi eq, %iota3A, %eq3A_205 : vector<576x432xi32>
    %convert_element_type3A_207 = arith.extui %eq3A_206 : vector<576x432xi1> to vector<576x432xi32>
    %convert_element_type3A_208 = arith.sitofp %convert_element_type3A_207 : vector<576x432xi32> to vector<576x432xf32>
    %get3A_209 = arith.constant 0 : index
    %get3A_210 = arith.constant 0 : index
    %get3A_211 = vector.load %arg1[%get3A_209, %get3A_210] : memref<96x576xf32, #tpu.memory_space<vmem>>, vector<96x576xf32>
    %dot_general3A_212 = arith.constant dense<0.000000e+00> : vector<96x432xf32>
    %dot_general3A_213 = tpu.matmul %get3A_211, %convert_element_type3A_208, %dot_general3A_212 {dimension_numbers = #tpu.dot_dimension_numbers<[1], [0], [0], [1], [0, 0, 1, 1], [], []>, transpose_lhs_hint = false} : vector<96x576xf32>, vector<576x432xf32>, vector<96x432xf32> -> vector<96x432xf32>
    %swap3A_214 = arith.constant 5 : index
    %swap3A_215 = arith.constant 0 : index
    %swap3A_216 = arith.constant 0 : index
    %swap3A_217 = vector.load %arg5[%swap3A_214, %swap3A_215, %swap3A_216] : memref<8x96x432xf32, #tpu.memory_space<vmem>>, vector<1x96x432xf32>
    %swap3A_218 = vector.shape_cast %swap3A_217 : vector<1x96x432xf32> to vector<96x432xf32>
    %swap3A_219 = vector.shape_cast %dot_general3A_213 : vector<96x432xf32> to vector<1x96x432xf32>
    tpu.vector_store %arg5[%swap3A_214, %swap3A_215, %swap3A_216], %swap3A_219 {strides = array<i32>} : memref<8x96x432xf32, #tpu.memory_space<vmem>>, vector<1x96x432xf32>,
    %get3A_220 = arith.constant 5 : index
    %get3A_221 = arith.constant 0 : index
    %get3A_222 = arith.constant 0 : index
    %get3A_223 = vector.load %arg4[%get3A_220, %get3A_221, %get3A_222] : memref<8x1x144xi32, #tpu.memory_space<vmem>>, vector<1x1x144xi32>
    %get3A_224 = vector.shape_cast %get3A_223 : vector<1x1x144xi32> to vector<1x144xi32>
    %reshape3A_225 = vector.shape_cast %get3A_224 : vector<1x144xi32> to vector<144x1xi32>
    %eq3A_226 = vector.broadcast %reshape3A_225 : vector<144x1xi32> to vector<144x576xi32>
    %eq3A_227 = arith.cmpi eq, %iota3A_0, %eq3A_226 : vector<144x576xi32>
    %convert_element_type3A_228 = arith.extui %eq3A_227 : vector<144x576xi1> to vector<144x576xi32>
    %convert_element_type3A_229 = arith.sitofp %convert_element_type3A_228 : vector<144x576xi32> to vector<144x576xf32>
    %get3A_230 = arith.constant 0 : index
    %get3A_231 = arith.constant 0 : index
    %get3A_232 = vector.load %arg2[%get3A_230, %get3A_231] : memref<576x96xf32, #tpu.memory_space<vmem>>, vector<576x96xf32>
    %dot_general3A_233 = arith.constant dense<0.000000e+00> : vector<144x96xf32>
    %dot_general3A_234 = tpu.matmul %convert_element_type3A_229, %get3A_232, %dot_general3A_233 {dimension_numbers = #tpu.dot_dimension_numbers<[1], [0], [0], [1], [0, 0, 1, 1], [], []>, transpose_lhs_hint = false} : vector<144x576xf32>, vector<576x96xf32>, vector<144x96xf32> -> vector<144x96xf32>
    %swap3A_235 = arith.constant 5 : index
    %swap3A_236 = arith.constant 0 : index
    %swap3A_237 = arith.constant 0 : index
    %swap3A_238 = vector.load %arg6[%swap3A_235, %swap3A_236, %swap3A_237] : memref<8x144x96xf32, #tpu.memory_space<vmem>>, vector<1x144x96xf32>
    %swap3A_239 = vector.shape_cast %swap3A_238 : vector<1x144x96xf32> to vector<144x96xf32>
    %swap3A_240 = vector.shape_cast %dot_general3A_234 : vector<144x96xf32> to vector<1x144x96xf32>
    tpu.vector_store %arg6[%swap3A_235, %swap3A_236, %swap3A_237], %swap3A_240 {strides = array<i32>} : memref<8x144x96xf32, #tpu.memory_space<vmem>>, vector<1x144x96xf32>,
    %get3A_241 = arith.constant 6 : index
    %get3A_242 = arith.constant 0 : index
    %get3A_243 = arith.constant 0 : index
    %get3A_244 = vector.load %arg3[%get3A_241, %get3A_242, %get3A_243] : memref<8x1x432xi32, #tpu.memory_space<vmem>>, vector<1x1x432xi32>
    %get3A_245 = vector.shape_cast %get3A_244 : vector<1x1x432xi32> to vector<1x432xi32>
    %eq3A_246 = vector.broadcast %get3A_245 : vector<1x432xi32> to vector<576x432xi32>
    %eq3A_247 = arith.cmpi eq, %iota3A, %eq3A_246 : vector<576x432xi32>
    %convert_element_type3A_248 = arith.extui %eq3A_247 : vector<576x432xi1> to vector<576x432xi32>
    %convert_element_type3A_249 = arith.sitofp %convert_element_type3A_248 : vector<576x432xi32> to vector<576x432xf32>
    %get3A_250 = arith.constant 0 : index
    %get3A_251 = arith.constant 0 : index
    %get3A_252 = vector.load %arg1[%get3A_250, %get3A_251] : memref<96x576xf32, #tpu.memory_space<vmem>>, vector<96x576xf32>
    %dot_general3A_253 = arith.constant dense<0.000000e+00> : vector<96x432xf32>
    %dot_general3A_254 = tpu.matmul %get3A_252, %convert_element_type3A_249, %dot_general3A_253 {dimension_numbers = #tpu.dot_dimension_numbers<[1], [0], [0], [1], [0, 0, 1, 1], [], []>, transpose_lhs_hint = false} : vector<96x576xf32>, vector<576x432xf32>, vector<96x432xf32> -> vector<96x432xf32>
    %swap3A_255 = arith.constant 6 : index
    %swap3A_256 = arith.constant 0 : index
    %swap3A_257 = arith.constant 0 : index
    %swap3A_258 = vector.load %arg5[%swap3A_255, %swap3A_256, %swap3A_257] : memref<8x96x432xf32, #tpu.memory_space<vmem>>, vector<1x96x432xf32>
    %swap3A_259 = vector.shape_cast %swap3A_258 : vector<1x96x432xf32> to vector<96x432xf32>
    %swap3A_260 = vector.shape_cast %dot_general3A_254 : vector<96x432xf32> to vector<1x96x432xf32>
    tpu.vector_store %arg5[%swap3A_255, %swap3A_256, %swap3A_257], %swap3A_260 {strides = array<i32>} : memref<8x96x432xf32, #tpu.memory_space<vmem>>, vector<1x96x432xf32>,
    %get3A_261 = arith.constant 6 : index
    %get3A_262 = arith.constant 0 : index
    %get3A_263 = arith.constant 0 : index
    %get3A_264 = vector.load %arg4[%get3A_261, %get3A_262, %get3A_263] : memref<8x1x144xi32, #tpu.memory_space<vmem>>, vector<1x1x144xi32>
    %get3A_265 = vector.shape_cast %get3A_264 : vector<1x1x144xi32> to vector<1x144xi32>
    %reshape3A_266 = vector.shape_cast %get3A_265 : vector<1x144xi32> to vector<144x1xi32>
    %eq3A_267 = vector.broadcast %reshape3A_266 : vector<144x1xi32> to vector<144x576xi32>
    %eq3A_268 = arith.cmpi eq, %iota3A_0, %eq3A_267 : vector<144x576xi32>
    %convert_element_type3A_269 = arith.extui %eq3A_268 : vector<144x576xi1> to vector<144x576xi32>
    %convert_element_type3A_270 = arith.sitofp %convert_element_type3A_269 : vector<144x576xi32> to vector<144x576xf32>
    %get3A_271 = arith.constant 0 : index
    %get3A_272 = arith.constant 0 : index
    %get3A_273 = vector.load %arg2[%get3A_271, %get3A_272] : memref<576x96xf32, #tpu.memory_space<vmem>>, vector<576x96xf32>
    %dot_general3A_274 = arith.constant dense<0.000000e+00> : vector<144x96xf32>
    %dot_general3A_275 = tpu.matmul %convert_element_type3A_270, %get3A_273, %dot_general3A_274 {dimension_numbers = #tpu.dot_dimension_numbers<[1], [0], [0], [1], [0, 0, 1, 1], [], []>, transpose_lhs_hint = false} : vector<144x576xf32>, vector<576x96xf32>, vector<144x96xf32> -> vector<144x96xf32>
    %swap3A_276 = arith.constant 6 : index
    %swap3A_277 = arith.constant 0 : index
    %swap3A_278 = arith.constant 0 : index
    %swap3A_279 = vector.load %arg6[%swap3A_276, %swap3A_277, %swap3A_278] : memref<8x144x96xf32, #tpu.memory_space<vmem>>, vector<1x144x96xf32>
    %swap3A_280 = vector.shape_cast %swap3A_279 : vector<1x144x96xf32> to vector<144x96xf32>
    %swap3A_281 = vector.shape_cast %dot_general3A_275 : vector<144x96xf32> to vector<1x144x96xf32>
    tpu.vector_store %arg6[%swap3A_276, %swap3A_277, %swap3A_278], %swap3A_281 {strides = array<i32>} : memref<8x144x96xf32, #tpu.memory_space<vmem>>, vector<1x144x96xf32>,
    %get3A_282 = arith.constant 7 : index
    %get3A_283 = arith.constant 0 : index
    %get3A_284 = arith.constant 0 : index
    %get3A_285 = vector.load %arg3[%get3A_282, %get3A_283, %get3A_284] : memref<8x1x432xi32, #tpu.memory_space<vmem>>, vector<1x1x432xi32>
    %get3A_286 = vector.shape_cast %get3A_285 : vector<1x1x432xi32> to vector<1x432xi32>
    %eq3A_287 = vector.broadcast %get3A_286 : vector<1x432xi32> to vector<576x432xi32>
    %eq3A_288 = arith.cmpi eq, %iota3A, %eq3A_287 : vector<576x432xi32>
    %convert_element_type3A_289 = arith.extui %eq3A_288 : vector<576x432xi1> to vector<576x432xi32>
    %convert_element_type3A_290 = arith.sitofp %convert_element_type3A_289 : vector<576x432xi32> to vector<576x432xf32>
    %get3A_291 = arith.constant 0 : index
    %get3A_292 = arith.constant 0 : index
    %get3A_293 = vector.load %arg1[%get3A_291, %get3A_292] : memref<96x576xf32, #tpu.memory_space<vmem>>, vector<96x576xf32>
    %dot_general3A_294 = arith.constant dense<0.000000e+00> : vector<96x432xf32>
    %dot_general3A_295 = tpu.matmul %get3A_293, %convert_element_type3A_290, %dot_general3A_294 {dimension_numbers = #tpu.dot_dimension_numbers<[1], [0], [0], [1], [0, 0, 1, 1], [], []>, transpose_lhs_hint = false} : vector<96x576xf32>, vector<576x432xf32>, vector<96x432xf32> -> vector<96x432xf32>
    %swap3A_296 = arith.constant 7 : index
    %swap3A_297 = arith.constant 0 : index
    %swap3A_298 = arith.constant 0 : index
    %swap3A_299 = vector.load %arg5[%swap3A_296, %swap3A_297, %swap3A_298] : memref<8x96x432xf32, #tpu.memory_space<vmem>>, vector<1x96x432xf32>
    %swap3A_300 = vector.shape_cast %swap3A_299 : vector<1x96x432xf32> to vector<96x432xf32>
    %swap3A_301 = vector.shape_cast %dot_general3A_295 : vector<96x432xf32> to vector<1x96x432xf32>
    tpu.vector_store %arg5[%swap3A_296, %swap3A_297, %swap3A_298], %swap3A_301 {strides = array<i32>} : memref<8x96x432xf32, #tpu.memory_space<vmem>>, vector<1x96x432xf32>,
    %get3A_302 = arith.constant 7 : index
    %get3A_303 = arith.constant 0 : index
    %get3A_304 = arith.constant 0 : index
    %get3A_305 = vector.load %arg4[%get3A_302, %get3A_303, %get3A_304] : memref<8x1x144xi32, #tpu.memory_space<vmem>>, vector<1x1x144xi32>
    %get3A_306 = vector.shape_cast %get3A_305 : vector<1x1x144xi32> to vector<1x144xi32>
    %reshape3A_307 = vector.shape_cast %get3A_306 : vector<1x144xi32> to vector<144x1xi32>
    %eq3A_308 = vector.broadcast %reshape3A_307 : vector<144x1xi32> to vector<144x576xi32>
    %eq3A_309 = arith.cmpi eq, %iota3A_0, %eq3A_308 : vector<144x576xi32>
    %convert_element_type3A_310 = arith.extui %eq3A_309 : vector<144x576xi1> to vector<144x576xi32>
    %convert_element_type3A_311 = arith.sitofp %convert_element_type3A_310 : vector<144x576xi32> to vector<144x576xf32>
    %get3A_312 = arith.constant 0 : index
    %get3A_313 = arith.constant 0 : index
    %get3A_314 = vector.load %arg2[%get3A_312, %get3A_313] : memref<576x96xf32, #tpu.memory_space<vmem>>, vector<576x96xf32>
    %dot_general3A_315 = arith.constant dense<0.000000e+00> : vector<144x96xf32>
    %dot_general3A_316 = tpu.matmul %convert_element_type3A_311, %get3A_314, %dot_general3A_315 {dimension_numbers = #tpu.dot_dimension_numbers<[1], [0], [0], [1], [0, 0, 1, 1], [], []>, transpose_lhs_hint = false} : vector<144x576xf32>, vector<576x96xf32>, vector<144x96xf32> -> vector<144x96xf32>
    %swap3A_317 = arith.constant 7 : index
    %swap3A_318 = arith.constant 0 : index
    %swap3A_319 = arith.constant 0 : index
    %swap3A_320 = vector.load %arg6[%swap3A_317, %swap3A_318, %swap3A_319] : memref<8x144x96xf32, #tpu.memory_space<vmem>>, vector<1x144x96xf32>
    %swap3A_321 = vector.shape_cast %swap3A_320 : vector<1x144x96xf32> to vector<144x96xf32>
    %swap3A_322 = vector.shape_cast %dot_general3A_316 : vector<144x96xf32> to vector<1x144x96xf32>
    tpu.vector_store %arg6[%swap3A_317, %swap3A_318, %swap3A_319], %swap3A_322 {strides = array<i32>} : memref<8x144x96xf32, #tpu.memory_space<vmem>>, vector<1x144x96xf32>,
    %get3A_323 = arith.constant 0 : index
    %get3A_324 = arith.constant 0 : index
    %get3A_325 = arith.constant 0 : index
    %get3A_326 = vector.load %arg3[%get3A_323, %get3A_324, %get3A_325] : memref<8x1x432xi32, #tpu.memory_space<vmem>>, vector<8x1x432xi32>
    %swap3A_327 = arith.constant 0 : index
    %swap3A_328 = arith.constant 0 : index
    %swap3A_329 = arith.constant 0 : index
    %swap3A_330 = vector.load %arg7[%swap3A_327, %swap3A_328, %swap3A_329] : memref<8x1x432xi32, #tpu.memory_space<vmem>>, vector<8x1x432xi32>
    tpu.vector_store %arg7[%swap3A_327, %swap3A_328, %swap3A_329], %get3A_326 {strides = array<i32>} : memref<8x1x432xi32, #tpu.memory_space<vmem>>, vector<8x1x432xi32>,
    %get3A_331 = arith.constant 0 : index
    %get3A_332 = arith.constant 0 : index
    %get3A_333 = arith.constant 0 : index
    %get3A_334 = vector.load %arg4[%get3A_331, %get3A_332, %get3A_333] : memref<8x1x144xi32, #tpu.memory_space<vmem>>, vector<8x1x144xi32>
    %swap3A_335 = arith.constant 0 : index
    %swap3A_336 = arith.constant 0 : index
    %swap3A_337 = arith.constant 0 : index
    %swap3A_338 = vector.load %arg8[%swap3A_335, %swap3A_336, %swap3A_337] : memref<8x1x144xi32, #tpu.memory_space<vmem>>, vector<8x1x144xi32>
    tpu.vector_store %arg8[%swap3A_335, %swap3A_336, %swap3A_337], %get3A_334 {strides = array<i32>} : memref<8x1x144xi32, #tpu.memory_space<vmem>>, vector<8x1x144xi32>,
    return
  }
  func.func @transform_0(%arg0: i32) -> (i32, i32) {
    %c0_i32 = arith.constant 0 : i32
    %c0_i32_0 = arith.constant 0 : i32
    %c0_i32_1 = arith.constant 0 : i32
    return %c0_i32, %c0_i32_0 : i32, i32
  }
  func.func @transform_1(%arg0: i32) -> (i32, i32) {
    %c0_i32 = arith.constant 0 : i32
    %c0_i32_0 = arith.constant 0 : i32
    %c0_i32_1 = arith.constant 0 : i32
    return %c0_i32, %c0_i32_0 : i32, i32
  }
  func.func @transform_2(%arg0: i32) -> (i32, i32, i32) {
    %c0_i32 = arith.constant 0 : i32
    %c0_i32_0 = arith.constant 0 : i32
    %c0_i32_1 = arith.constant 0 : i32
    return %arg0, %c0_i32, %c0_i32_0 : i32, i32, i32
  }
  func.func @transform_3(%arg0: i32) -> (i32, i32, i32) {
    %c0_i32 = arith.constant 0 : i32
    %c0_i32_0 = arith.constant 0 : i32
    %c0_i32_1 = arith.constant 0 : i32
    return %arg0, %c0_i32, %c0_i32_0 : i32, i32, i32
  }
  func.func @transform_4(%arg0: i32) -> (i32, i32, i32) {
    %c0_i32 = arith.constant 0 : i32
    %c0_i32_0 = arith.constant 0 : i32
    %c0_i32_1 = arith.constant 0 : i32
    return %arg0, %c0_i32, %c0_i32_0 : i32, i32, i32
  }
  func.func @transform_5(%arg0: i32) -> (i32, i32, i32) {
    %c0_i32 = arith.constant 0 : i32
    %c0_i32_0 = arith.constant 0 : i32
    %c0_i32_1 = arith.constant 0 : i32
    return %arg0, %c0_i32, %c0_i32_0 : i32, i32, i32
  }
  func.func @transform_6(%arg0: i32) -> (i32, i32, i32) {
    %c0_i32 = arith.constant 0 : i32
    %c0_i32_0 = arith.constant 0 : i32
    %c0_i32_1 = arith.constant 0 : i32
    return %arg0, %c0_i32, %c0_i32_0 : i32, i32, i32
  }
  func.func @transform_7(%arg0: i32) -> (i32, i32, i32) {
    %c0_i32 = arith.constant 0 : i32
    %c0_i32_0 = arith.constant 0 : i32
    %c0_i32_1 = arith.constant 0 : i32
    return %arg0, %c0_i32, %c0_i32_0 : i32, i32, i32
  }
}

module attributes {stable_mosaic.version = 14 : i64} {
  func.func @_proj_body(%arg0: i32, %arg1: memref<1536x768xf32, #tpu.memory_space<vmem>>, %arg2: memref<768x96xf32, #tpu.memory_space<vmem>>, %arg3: memref<1x96xf32, #tpu.memory_space<vmem>>, %arg4: memref<1536x96xf32, #tpu.memory_space<vmem>>) attributes {dimension_semantics = [#tpu.dimension_semantics<arbitrary>], iteration_bounds = array<i64: 6>, scalar_prefetch = 0 : i64, scratch_operands = 0 : i64, tpu.core_type = #tpu.core_type<tc>, window_params = [{transform_indices = @transform_0, window_bounds = array<i64: 1536, 768>}, {pipeline_mode = #tpu.pipeline_mode<synchronous>, transform_indices = @transform_1, window_bounds = array<i64: 768, 96>}, {pipeline_mode = #tpu.pipeline_mode<synchronous>, transform_indices = @transform_2, window_bounds = array<i64: 1, 96>}, {transform_indices = @transform_3, window_bounds = array<i64: 1536, 96>}]} {
    %get3A = arith.constant 0 : index
    %get3A_0 = arith.constant 0 : index
    %get3A_1 = vector.load %arg1[%get3A, %get3A_0] : memref<1536x768xf32, #tpu.memory_space<vmem>>, vector<1536x768xf32>
    %get3A_2 = arith.constant 0 : index
    %get3A_3 = arith.constant 0 : index
    %get3A_4 = vector.load %arg2[%get3A_2, %get3A_3] : memref<768x96xf32, #tpu.memory_space<vmem>>, vector<768x96xf32>
    %dot_general3A = arith.constant dense<0.000000e+00> : vector<1536x96xf32>
    %dot_general3A_5 = tpu.matmul %get3A_1, %get3A_4, %dot_general3A {dimension_numbers = #tpu.dot_dimension_numbers<[1], [0], [0], [1], [0, 0, 1, 1], [], []>, transpose_lhs_hint = false} : vector<1536x768xf32>, vector<768x96xf32>, vector<1536x96xf32> -> vector<1536x96xf32>
    %get3A_6 = arith.constant 0 : index
    %get3A_7 = arith.constant 0 : index
    %get3A_8 = vector.load %arg3[%get3A_6, %get3A_7] : memref<1x96xf32, #tpu.memory_space<vmem>>, vector<1x96xf32>
    %add3A = vector.broadcast %get3A_8 : vector<1x96xf32> to vector<1536x96xf32>
    %add3A_9 = arith.addf %dot_general3A_5, %add3A : vector<1536x96xf32>
    %swap3A = arith.constant 0 : index
    %swap3A_10 = arith.constant 0 : index
    %swap3A_11 = vector.load %arg4[%swap3A, %swap3A_10] : memref<1536x96xf32, #tpu.memory_space<vmem>>, vector<1536x96xf32>
    tpu.vector_store %arg4[%swap3A, %swap3A_10], %add3A_9 {strides = array<i32>} : memref<1536x96xf32, #tpu.memory_space<vmem>>, vector<1536x96xf32>,
    return
  }
  func.func @transform_0(%arg0: i32) -> (i32, i32) {
    %c0_i32 = arith.constant 0 : i32
    %c0_i32_0 = arith.constant 0 : i32
    return %arg0, %c0_i32 : i32, i32
  }
  func.func @transform_1(%arg0: i32) -> (i32, i32) {
    %c0_i32 = arith.constant 0 : i32
    %c0_i32_0 = arith.constant 0 : i32
    %c0_i32_1 = arith.constant 0 : i32
    return %c0_i32, %c0_i32_0 : i32, i32
  }
  func.func @transform_2(%arg0: i32) -> (i32, i32) {
    %c0_i32 = arith.constant 0 : i32
    %c0_i32_0 = arith.constant 0 : i32
    %c0_i32_1 = arith.constant 0 : i32
    return %c0_i32, %c0_i32_0 : i32, i32
  }
  func.func @transform_3(%arg0: i32) -> (i32, i32) {
    %c0_i32 = arith.constant 0 : i32
    %c0_i32_0 = arith.constant 0 : i32
    return %arg0, %c0_i32 : i32, i32
  }
}

module attributes {stable_mosaic.version = 14 : i64} {
  func.func @_pos_plus_t_body(%arg0: memref<1x768xf32, #tpu.memory_space<vmem>>, %arg1: memref<768x96xf32, #tpu.memory_space<vmem>>, %arg2: memref<96x1xf32, #tpu.memory_space<vmem>>, %arg3: memref<576x96xf32, #tpu.memory_space<vmem>>, %arg4: memref<96x576xf32, #tpu.memory_space<vmem>>) attributes {dimension_semantics = [], scalar_prefetch = 0 : i64, scratch_operands = 0 : i64, tpu.core_type = #tpu.core_type<tc>} {
    %get3A = arith.constant 0 : index
    %get3A_0 = arith.constant 0 : index
    %get3A_1 = vector.load %arg1[%get3A, %get3A_0] : memref<768x96xf32, #tpu.memory_space<vmem>>, vector<768x96xf32>
    %get3A_2 = arith.constant 0 : index
    %get3A_3 = arith.constant 0 : index
    %get3A_4 = vector.load %arg0[%get3A_2, %get3A_3] : memref<1x768xf32, #tpu.memory_space<vmem>>, vector<1x768xf32>
    %dot_general3A = arith.constant dense<0.000000e+00> : vector<96x1xf32>
    %dot_general3A_5 = tpu.matmul %get3A_1, %get3A_4, %dot_general3A {dimension_numbers = #tpu.dot_dimension_numbers<[0], [1], [1], [0], [0, 1, 1, 0], [], []>, transpose_lhs_hint = false} : vector<768x96xf32>, vector<1x768xf32>, vector<96x1xf32> -> vector<96x1xf32>
    %get3A_6 = arith.constant 0 : index
    %get3A_7 = arith.constant 0 : index
    %get3A_8 = vector.load %arg3[%get3A_6, %get3A_7] : memref<576x96xf32, #tpu.memory_space<vmem>>, vector<576x96xf32>
    %transpose3A = tpu.transpose %get3A_8, [1, 0] : vector<576x96xf32> -> vector<96x576xf32>
    %get3A_9 = arith.constant 0 : index
    %get3A_10 = arith.constant 0 : index
    %get3A_11 = vector.load %arg2[%get3A_9, %get3A_10] : memref<96x1xf32, #tpu.memory_space<vmem>>, vector<96x1xf32>
    %add3A = arith.addf %dot_general3A_5, %get3A_11 : vector<96x1xf32>
    %add3A_12 = vector.broadcast %add3A : vector<96x1xf32> to vector<96x576xf32>
    %add3A_13 = arith.addf %transpose3A, %add3A_12 : vector<96x576xf32>
    %swap3A = arith.constant 0 : index
    %swap3A_14 = arith.constant 0 : index
    %swap3A_15 = vector.load %arg4[%swap3A, %swap3A_14] : memref<96x576xf32, #tpu.memory_space<vmem>>, vector<96x576xf32>
    tpu.vector_store %arg4[%swap3A, %swap3A_14], %add3A_13 {strides = array<i32>} : memref<96x576xf32, #tpu.memory_space<vmem>>, vector<96x576xf32>,
    return
  }
}

</mosaic_0001>

<sc_bundles>
// kernel: kernel.6.cloned.1.call-start
scs
__scs_entry_jumppad:
0x0: {  	(pc) =	sbr.rel $0x88, $3  }
0x1: {  	(tag) =	ssettag $0x0;
	lr =	simm.s32 $0x1  }
0x2: {  	[smem:$0x3F9C] =	sst lr;
	_ =	strace $0xD0000000  }
0x3: {  	_ = 	snop  }
0x4: {  	_ = 	snop  }
0x5: {  	_ = 	snop  }
0x6: {  	_ = 	snop  }
0x7: {  	_ = 	snop  }
__scs_overlays_trampoline_lowered:
0x8: {  	[smem:$0x3FAB] =	sst s0  }
0x9: {  	[smem:$0x3FAC] =	sst s1  }
0xa: {  	[smem:$0x3FAD] =	sst s2  }
0xb: {  	[smem:$0x3FAE] =	sst s3  }
0xc: {  	[smem:$0x3FAF] =	sst s4  }
0xd: {  	[smem:$0x3FB0] =	sst s5  }
0xe: {  	[smem:$0x3FB1] =	sst s6  }
0xf: {  	[smem:$0x3FB2] =	sst s7  }
0x10: {  	[smem:$0x3FB3] =	sst s8  }
0x11: {  	[smem:$0x3FB4] =	sst s9;
	s0 =	simm.s32 @!p0 $0x0  }
0x12: {  	s1 =	sld [smem:$0x3F9A];
	s0 =	simm.s32 @p0 $0x1  }
0x13: {  	[smem:$0x3FB5] =	sst s0;
	s0 =	simm.s32 @!p1 $0x0  }
0x14: {  	s2 =	sld [smem:$0x3F99];
	s0 =	simm.s32 @p1 $0x1  }
0x15: {  	[smem:$0x3FB6] =	sst s0;
	s0 =	simm.s32 @!p2 $0x0  }
0x16: {  	s3 =	sld [smem:$0x3FDB];
	s0 =	simm.s32 @p2 $0x1  }
0x17: {  	s4 =	simm.s32 $0x1BF5;
	[smem:$0x3FB8] =	sst s0  }
0x18: {  	s0 =	sld [smem:$0x3F9B];
	_ =	swait.ge [sflag:s4], $0x0  }
0x19: {  	s7 =	sld [smem:$0x3F9C]  }
0x1a: {  	s8 =	sadd.s32 $0xFFFFE003, lr  }
0x1b: {  	s9 =	sadd.s32 $0xFFFFFEF7, lr;
	s5 =	simm.s32 $0xFFFFFFFF;
	p2 =	slt.u32 s8, $0xFFFFF086  }
0x1c: {  	p1 =	slt.u32 s9, $0xF7A;
	s5 =	simm.s32 @!p2 $0x0  }
0x1d: {  	s5 =	simm.s32 @p1 $0x1;
	p0 =	seq.s32 s7, s2  }
0x1e: {  	s7 =	smul.u32 @!p0 $0xF7A, s2;
	p2 =	seq.s32 @!p0 s5, $0x0  }
0x1f: {  	s9 =	smul.u32 $0xF7A, s1;
	s8 =	simm.s32 @!p0 $0x1BF5;
	p2 =	por !p2, p0  }
0x20: {  	[sflag:s8] =	ssyncset.s32 @!p0 $0xFFFFF086;
	s6 =	sadd.s32 @!p0 s3, s7;
	s7 =	simm.s32 @!p0 $0x108  }
0x21: {  	s3 =	sadd.s32 s3, s9;
	s6 =	sadd.s32 @!p0 $0x88, s6;
	s7 =	simm.s32 @p2 $0x1082  }
0x22: {  	[simem:s7], [sflag:s8] =	dma.local @!p0 [hbm:s6], $0xF7A  }
0x23: {  	s9 =	sor.u32 $0xD0000000, s2;
	s6 =	simm.s32 $0x108;
	_ =	swait.ge @!p0 [sflag:s8], $0x0  }
0x24: {  	s3 =	sadd.s32 $0x88, s3;
	s6 =	simm.s32 @!p1 $0x1082;
	[sflag:s4] =	ssyncset.s32 $0xFFFFF086  }
0x25: {  	[simem:s6], [sflag:s4] =	dma.local [hbm:s3], $0xF7A  }
0x26: {  	[smem:$0x3F9C] =	sst s1;
	(tag) =	ssettag s2;
	_ =	strace s9  }
0x27: {  	s1 =	sld [smem:$0x3FAC]  }
0x28: {  	s2 =	sld [smem:$0x3FAD]  }
0x29: {  	s4 =	sld [smem:$0x3FAF]  }
0x2a: {  	p0 =	seq.s32 s5, $0x0;
	s5 =	sld [smem:$0x3FB0]  }
0x2b: {  	s6 =	sld [smem:$0x3FB1]  }
0x2c: {  	s7 =	sld [smem:$0x3FB2]  }
0x2d: {  	s3 =	simm.s32 $0x108;
	s8 =	sld [smem:$0x3FB3]  }
0x2e: {  	s3 =	simm.s32 @!p0 $0x1082;
	s9 =	sld [smem:$0x3FB4]  }
0x2f: {  	lr =	sadd.s32 s0, s3;
	s0 =	sld [smem:$0x3FAB]  }
0x30: {  	s3 =	sld [smem:$0x3FAE]  }
0x31: {  	[smem:$0x3FB7] =	sst s10  }
0x32: {  	s10 =	sld [smem:$0x3FB5];
	_ =	sdelay $0x3  }
0x33: {  	p0 =	seq.s32 s10, $0x1;
	s10 =	sld [smem:$0x3FB7];
	_ =	sdelay $0x3  }
0x34: {  	[smem:$0x3FB7] =	sst s10  }
0x35: {  	s10 =	sld [smem:$0x3FB6];
	_ =	sdelay $0x3  }
0x36: {  	p1 =	seq.s32 s10, $0x1;
	s10 =	sld [smem:$0x3FB7];
	_ =	sdelay $0x3  }
0x37: {  	[smem:$0x3FB7] =	sst s10  }
0x38: {  	s10 =	sld [smem:$0x3FB8]  }
0x39: {  	_ = 	snop;
	(pc) =	sbr.ind lr, $3  }
0x3a: {  	_ = 	snop  }
0x3b: {  	_ = 	snop  }
0x3c: {  	p2 =	seq.s32 s10, $0x1;
	s10 =	sld [smem:$0x3FB7]  }
0x3d: {  	_ =	shalt  }
0x3e: {  	_ =	shalt  }
0x3f: {  	_ =	shalt  }
0x40: {  	_ =	shalt  }
0x41: {  	_ =	shalt  }
0x42: {  	_ =	shalt  }
0x43: {  	_ =	shalt  }
0x44: {  	_ =	shalt  }
0x45: {  	_ =	shalt  }
0x46: {  	_ =	shalt  }
0x47: {  	_ =	shalt  }
0x48: {  	_ =	shalt  }
0x49: {  	_ =	shalt  }
0x4a: {  	_ =	shalt  }
0x4b: {  	_ =	shalt  }
0x4c: {  	_ =	shalt  }
0x4d: {  	_ =	shalt  }
0x4e: {  	_ =	shalt  }
0x4f: {  	_ =	shalt  }
0x50: {  	_ =	shalt  }
0x51: {  	_ =	shalt  }
0x52: {  	_ =	shalt  }
0x53: {  	_ =	shalt  }
0x54: {  	_ =	shalt  }
0x55: {  	_ =	shalt  }
0x56: {  	_ =	shalt  }
0x57: {  	_ =	shalt  }
0x58: {  	_ =	shalt  }
0x59: {  	_ =	shalt  }
0x5a: {  	_ =	shalt  }
0x5b: {  	_ =	shalt  }
0x5c: {  	_ =	shalt  }
0x5d: {  	_ =	shalt  }
0x5e: {  	_ =	shalt  }
0x5f: {  	_ =	shalt  }
0x60: {  	_ =	shalt  }
0x61: {  	_ =	shalt  }
0x62: {  	_ =	shalt  }
0x63: {  	_ =	shalt  }
0x64: {  	_ =	shalt  }
0x65: {  	_ =	shalt  }
0x66: {  	_ =	shalt  }
0x67: {  	_ =	shalt  }
0x68: {  	_ =	shalt  }
0x69: {  	_ =	shalt  }
0x6a: {  	_ =	shalt  }
0x6b: {  	_ =	shalt  }
0x6c: {  	_ =	shalt  }
0x6d: {  	_ =	shalt  }
0x6e: {  	_ =	shalt  }
0x6f: {  	_ =	shalt  }
0x70: {  	_ =	shalt  }
0x71: {  	_ =	shalt  }
0x72: {  	_ =	shalt  }
0x73: {  	_ =	shalt  }
0x74: {  	_ =	shalt  }
0x75: {  	_ =	shalt  }
0x76: {  	_ =	shalt  }
0x77: {  	_ =	shalt  }
0x78: {  	_ =	shalt  }
0x79: {  	_ =	shalt  }
0x7a: {  	_ =	shalt  }
0x7b: {  	_ =	shalt  }
0x7c: {  	_ =	shalt  }
0x7d: {  	_ =	shalt  }
0x7e: {  	_ =	shalt  }
0x7f: {  	_ =	shalt  }
0x80: {  	_ =	shalt  }
0x81: {  	_ =	shalt  }
0x82: {  	_ =	shalt  }
0x83: {  	_ =	shalt  }
0x84: {  	_ =	shalt  }
0x85: {  	_ =	shalt  }
0x86: {  	_ =	shalt  }
0x87: {  	_ =	shalt  }
.Lfunc_end0:
.L_simem_size_0:
called_computation_lowered:
.L_overlay_start_0:
0x88: {  	s2 =	sld [smem:$0x3FD9]  }
0x89: {  	s3 =	sld [smem:$0x3FFE];
	_ =	sdelay $0x1  }
0x8a: {  	s1 =	srdreg.scid  }
0x8b: {  	s0 =	sand.u32 $0x1, s1  }
0x8c: {  	s14 =	sshll.u32 s0, $0xA;
	s2 =	sadd.s32 s3, s2  }
0x8d: {  	s2 =	sadd.s32 s2, s14  }
0x8e: {  	[smem:$0x3FC3] =	sst s2  }
0x8f: {  	_ = 	snop  }
0x90: {  	s2 =	sld [smem:$0x3FD0];
	_ =	sdelay $0x2  }
0x91: {  	s4 =	simm.s32 $0xA;
	s5 =	simm.s32 $0x10;
	s15 =	sld [smem:$0x3FC9]  }
0x92: {  	[smem:s5], [sflag:s4] =	dma.local [hbm:s2], $0x1  }
0x93: {  	_ =	swait.eq [sflag:s4], $0x1  }
0x94: {  	[sflag:s4] =	ssyncset.done $0x0  }
0x95: {  	[sflag:s4] =	ssyncadd.s32 $0xFFFFFFFF  }
0x96: {  	s16 =	sld [smem:$0x10];
	(tm) =	ssettm $0x1  }
0x97: {  	s17 =	sld [smem:$0x3FFB];
	_ =	sdelay $0x3  }
0x98: {  	_ =	strace s17  }
0x99: {  	s4 =	sld [smem:$0x3FFC];
	_ =	sdelay $0x3  }
0x9a: {  	_ =	strace s4  }
0x9b: {  	s4 =	sld [smem:$0x3FFD];
	_ =	sdelay $0x3  }
0x9c: {  	_ =	strace s4  }
0x9d: {  	_ =	strace $0x8FFFFFFF  }
0x9e: {  	s18 =	sld [smem:$0x3FDB];
	_ =	sdelay $0x1  }
0x9f: {  	s19 =	simm.s32 $_scs_section_size  }
0xa0: {  	s6 =	simm.s32 $_size__tile_overlayer_lowered;
	s7 =	simm.s32 $_tile_overlayer_lowered  }
0xa1: {  	s22 =	simm.s32 $0x1BFF;
	s21 =	sshll.u32 s7, $0x1;
	s4 =	sadd.s32 s19, s18  }
0xa2: {  	s8 =	simm.s32 $0x0;
	s20 =	sshll.u32 s6, $0x1;
	s6 =	sadd.s32 s21, s4  }
0xa3: {  	[timem:s8], [sflag:s22] =	dma.local [hbm:s6], s20  }
0xa4: {  	_ =	swait.ge [sflag:s22], s20  }
0xa5: {  	s5 =	ssub.s32 $0x0, s20;
	[sflag:s22] =	ssyncset.done $0x0  }
0xa6: {  	[sflag:s22] =	ssyncadd.s32 s5;
	_ =	sdelay $0x1  }
0xa7: {  	s23 =	simm.s32 $0x1B8B  }
0xa8: {  	_ =	swait.ge [sflag:s23], $0x1  }
0xa9: {  	[sflag:s23] =	ssyncset.done $0x0  }
0xaa: {  	s25 =	simm.s32 $0x1B8E;
	s24 =	sld [smem:$0x3FFE];
	[sflag:s23] =	ssyncadd.s32 $0xFFFFFFFF  }
0xab: {  	s26 =	simm.s32 $execute0_lowered;
	[smem:$0x3FD2] =	sst s25  }
0xac: {  	s6 =	sshll.u32 s26, $0x1;
	_ =	strace $0x80000046;
	[dreg:$0x1] =	wrdreg $0xFFFFFFFF  }
0xad: {  	s28 =	simm.s32 $_size_execute0_lowered;
	s4 =	sadd.s32 s4, s6;
	[dreg:$0x0] =	wrdreg $0x0  }
0xae: {  	s6 =	sshll.u32 s28, $0x1;
	[dreg:$0x2] =	wrdreg s4  }
0xaf: {  	[dreg:$0x3] =	wrdreg s6  }
0xb0: {  	[dreg:$0x4] =	wrdreg $0xC0  }
0xb1: {  	_ =	task [dreg:s8], $0x5FFFF  }
0xb2: {  	[dreg:$0x1] =	wrdreg $0xFFFFFFFF  }
0xb3: {  	[dreg:$0x0] =	wrdreg $0x60  }
0xb4: {  	[dreg:$0x2] =	wrdreg s15  }
0xb5: {  	[dreg:$0x3] =	wrdreg s16  }
0xb6: {  	[dreg:$0x4] =	wrdreg s24  }
0xb7: {  	[dreg:$0x5] =	wrdreg $0x9  }
0xb8: {  	_ =	task.clear_ibuf [dreg:s8], $0x6FFFF;
	_ =	strace $0x90000046  }
0xb9: {  	s29 =	simm.s32 $0x9;
	_ =	strace $0x80000048  }
0xba: {  	_ =	swait.ge [sflag:s29], $0x1  }
0xbb: {  	[sflag:s29] =	ssyncadd.s32 $0xFFFFFFFF  }
0xbc: {  	_ =	strace $0x90000048  }
0xbd: {  	_ =	sfence  }
0xbe: {  	s30 =	sld [smem:$0x0];
	_ =	sdelay $0x2  }
0xbf: {  	s31 =	sshll.u32 s1, $0xD;
	s1 =	sshrl.u32 s1, $0x2  }
0xc0: {  	s3 =	sand.u32 $0x4000, s31;
	s1 =	sadd.s32 s1, s30  }
0xc1: {  	s0 =	sor.u32 s3, s0;
	s1 =	sshll.u32 s1, $0x11  }
0xc2: {  	s0 =	sor.u32 s1, s0  }
0xc3: {  	s0 =	sadd.s32 $0x8F2B, s0  }
0xc4: {  	[sflag:s0] =	ssyncadd.remote.s32 $0x1  }
0xc5: {  	_ =	sfence.sel $0xFFFF  }
0xc6: {  	[dreg:$0x0] =	wrdreg $0xFFFFFFFF;
	(pc) =	sbr.abs _section_cstart, $3  }
0xc7: {  	[dreg:$0x1] =	wrdreg $0xFFFFFFFF  }
0xc8: {  	_ =	task.clear_ibuf [dreg:s8], $0x2FFFF;
	_ =	strace $0x9FFFFFFF  }
0xc9: {  	(tm) =	ssettm $0x7FFFFFFF  }
tec
execute0_lowered:
.L_overlay_start_1:
0x0: {  	(tag) =	ssettag $0x1  }
0x1: {  	s0 =	srdreg.scid;
	s2 =	rddreg [dreg:$0x0]  }
0x2: {  	s1 =	stileid.u32;
	s4 =	rddreg [dreg:$0x1]  }
0x3: {  	s5 =	rddreg [dreg:$0x2];
	s3 =	simm.s32 $0x0;
	s7 =	simm.s32 $0x2  }
0x4: {  	s20 =	simm.s32 $0x1;
	s22 =	simm.s32 $0x980;
	s28 =	simm.s32 $0x3180  }
0x5: {  	s29 =	simm.s32 $0x3980;
	s30 =	simm.s32 $0x4180;
	s31 =	simm.s32 $0x4980  }
0x6: {  	s9 =	simm.s32 $0x6180;
	s0 =	sand.u32 $0x1, s0;
	s1 =	sshll.u32 s1, $0x1  }
0x7: {  	s10 =	simm.s32 $0x6980;
	s11 =	simm.s32 $0x7180;
	s1 =	sor.u32 s0, s1  }
0x8: {  	s12 =	simm.s32 $0x7980;
	s13 =	simm.s32 $0x8180;
	s1 =	smul.u32 $0x120, s1  }
0x9: {  	s14 =	simm.s32 $0x8980;
	s15 =	simm.s32 $0x9180;
	s16 =	simm.s32 $0x9980  }
0xa: {  	s17 =	simm.s32 $0xA180;
	s18 =	simm.s32 $0xA980;
	s1 =	sshrl.u32 s1, $0x3  }
0xb: {  	[smem:$0x7FF] =	sst s3;
	s0 =	ssub.s32 $0x2, s0;
	s6 =	smul.u32 $0x300, s1  }
0xc: {  	s19 =	simm.s32 $0xB180;
	_ =	strace $0x80000047;
	s24 =	sshrl.u32 s0, $0x1  }
0xd: {  	s0 =	ssub.s32 s0, s24;
	s1 =	sadd.s32 s4, s1;
	s5 =	sadd.s32 s6, s5  }
0xe: {  	s24 =	simm.s32 $0x1980;
	[dreg:$0x4] =	wrdreg s1;
	s23 =	sadd.s32 $0x1200, s5  }
0xf: {  	s4 =	sadd.s32 $0x100, s2;
	s25 =	sadd.s32 $0x3600, s5;
	[dreg:$0x5] =	wrdreg s23  }
0x10: {  	v2 =	vlaneseq.u32;
	s6 =	smax.u32 s0, $0x1;
	s26 =	sadd.s32 $0x5A00, s5;
	[dreg:$0x6] =	wrdreg s25  }
0x11: {  	vm0 =	vmmov $0xffff;
	v1 =	vshrl.u32 v2, $0x3;
	s0 =	simm.s32 $0x180;
	s5 =	sadd.s32 $0x200, s2;
	[dreg:$0x7] =	wrdreg s26  }
0x12: {  	v0 =	vand.u32 $0x7, v2;
	v2 =	vor.u32 $0x8, v2;
	v1 =	vmul.u32 $0x8, v1;
	s23 =	simm.s32 $0x1180;
	s25 =	simm.s32 $0x2180;
	s26 =	simm.s32 $0x2980  }
.LBB2_1:
0x13: {  	s21 =	rddreg [dreg:$0x4]  }
0x14: {  	[tilespmem:s3], [sflag:$0x2] =	stream.linear.gather [hbm4b:s21+s3], $0x120, $0x38;
	[tilespmem:$0x12180] =	vst v63  }
0x15: {  	_ =	swait.ge [sflag:s7], $0x120  }
0x16: {  	[sflag:s7] =	ssyncset.done $0x0  }
0x17: {  	[sflag:s7] =	ssyncadd.s32 $0xFFFFFEE0  }
0x18: {  	v3 =	vld [tilespmem:$0x0];
	_ =	sdelay $0x4  }
0x19: {  	v4 =	vshrl.u32 v3, $0x3  }
0x1a: {  	v4 =	vmul.u32 $0x30, v4  }
0x1b: {  	v3 =	vand.u32 $0x7, v3  }
0x1c: {  	v3 =	vor.u32 v3, v4  }
0x1d: {  	v4 =	vperm.xlane v3, v0;
	_ =	sdelay $0x1  }
0x1e: {  	v4 =	vadd.s32 v1, v4;
	_ =	sdelay $0x3  }
0x1f: {  	v3 =	vperm.xlane v3, v2  }
0x20: {  	[tilespmem:s0], [sflag:$0x1] =	stream.indirect_vreg.gather [hbm4b:s2+s3], $0x80, v4, vm0, $0xb8;
	[tilespmem:$0x12180] =	vst v63  }
0x21: {  	v3 =	vadd.s32 v1, v3  }
0x22: {  	[tilespmem:s22], [sflag:$0x1] =	stream.indirect_vreg.gather [hbm4b:s4+s3], $0x80, v4, vm0, $0xb8;
	[tilespmem:$0x12180] =	vst v63  }
0x23: {  	_ = 	snop  }
0x24: {  	[tilespmem:s23], [sflag:$0x1] =	stream.indirect_vreg.gather [hbm4b:s5+s3], $0x80, v4, vm0, $0xb8;
	[tilespmem:$0x12180] =	vst v63  }
0x25: {  	_ = 	snop  }
0x26: {  	[tilespmem:s24], [sflag:$0x1] =	stream.indirect_vreg.gather [hbm4b:s2+s3], $0x80, v3, vm0, $0xb8;
	[tilespmem:$0x12180] =	vst v63  }
0x27: {  	_ = 	snop  }
0x28: {  	[tilespmem:s25], [sflag:$0x1] =	stream.indirect_vreg.gather [hbm4b:s4+s3], $0x80, v3, vm0, $0xb8;
	[tilespmem:$0x12180] =	vst v63  }
0x29: {  	_ = 	snop  }
0x2a: {  	[tilespmem:s26], [sflag:$0x1] =	stream.indirect_vreg.gather [hbm4b:s5+s3], $0x80, v3, vm0, $0xb8;
	[tilespmem:$0x12180] =	vst v63  }
0x2b: {  	v3 =	vld [tilespmem:$0x10];
	_ =	sdelay $0x4  }
0x2c: {  	v47 =	vshrl.u32 v3, $0x3  }
0x2d: {  	v4 =	vmul.u32 $0x30, v47  }
0x2e: {  	v3 =	vand.u32 $0x7, v3  }
0x2f: {  	v3 =	vor.u32 v3, v4  }
0x30: {  	v4 =	vperm.xlane v3, v0;
	_ =	sdelay $0x1  }
0x31: {  	v4 =	vadd.s32 v1, v4;
	_ =	sdelay $0x3  }
0x32: {  	v3 =	vperm.xlane v3, v2  }
0x33: {  	[tilespmem:s28], [sflag:$0x1] =	stream.indirect_vreg.gather [hbm4b:s2+s3], $0x80, v4, vm0, $0xb8;
	[tilespmem:$0x12180] =	vst v63  }
0x34: {  	v3 =	vadd.s32 v1, v3  }
0x35: {  	[tilespmem:s29], [sflag:$0x1] =	stream.indirect_vreg.gather [hbm4b:s4+s3], $0x80, v4, vm0, $0xb8;
	[tilespmem:$0x12180] =	vst v63  }
0x36: {  	_ = 	snop  }
0x37: {  	[tilespmem:s30], [sflag:$0x1] =	stream.indirect_vreg.gather [hbm4b:s5+s3], $0x80, v4, vm0, $0xb8;
	[tilespmem:$0x12180] =	vst v63  }
0x38: {  	_ = 	snop  }
0x39: {  	[tilespmem:s31], [sflag:$0x1] =	stream.indirect_vreg.gather [hbm4b:s2+s3], $0x80, v3, vm0, $0xb8;
	[tilespmem:$0x12180] =	vst v63  }
0x3a: {  	s1 =	simm.s32 $0x5180  }
0x3b: {  	[tilespmem:s1], [sflag:$0x1] =	stream.indirect_vreg.gather [hbm4b:s4+s3], $0x80, v3, vm0, $0xb8;
	[tilespmem:$0x12180] =	vst v63  }
0x3c: {  	s8 =	simm.s32 $0x5980  }
0x3d: {  	[tilespmem:s8], [sflag:$0x1] =	stream.indirect_vreg.gather [hbm4b:s5+s3], $0x80, v3, vm0, $0xb8;
	[tilespmem:$0x12180] =	vst v63  }
0x3e: {  	v3 =	vld [tilespmem:$0x20];
	_ =	sdelay $0x4  }
0x3f: {  	v48 =	vshrl.u32 v3, $0x3  }
0x40: {  	v4 =	vmul.u32 $0x30, v48  }
0x41: {  	v3 =	vand.u32 $0x7, v3  }
0x42: {  	v3 =	vor.u32 v3, v4  }
0x43: {  	v4 =	vperm.xlane v3, v0;
	_ =	sdelay $0x1  }
0x44: {  	v4 =	vadd.s32 v1, v4;
	_ =	sdelay $0x3  }
0x45: {  	v3 =	vperm.xlane v3, v2  }
0x46: {  	[tilespmem:s9], [sflag:$0x1] =	stream.indirect_vreg.gather [hbm4b:s2+s3], $0x80, v4, vm0, $0xb8;
	[tilespmem:$0x12180] =	vst v63  }
0x47: {  	v3 =	vadd.s32 v1, v3  }
0x48: {  	[tilespmem:s10], [sflag:$0x1] =	stream.indirect_vreg.gather [hbm4b:s4+s3], $0x80, v4, vm0, $0xb8;
	[tilespmem:$0x12180] =	vst v63  }
0x49: {  	_ = 	snop  }
0x4a: {  	[tilespmem:s11], [sflag:$0x1] =	stream.indirect_vreg.gather [hbm4b:s5+s3], $0x80, v4, vm0, $0xb8;
	[tilespmem:$0x12180] =	vst v63  }
0x4b: {  	_ = 	snop  }
0x4c: {  	[tilespmem:s12], [sflag:$0x1] =	stream.indirect_vreg.gather [hbm4b:s2+s3], $0x80, v3, vm0, $0xb8;
	[tilespmem:$0x12180] =	vst v63  }
0x4d: {  	_ = 	snop  }
0x4e: {  	[tilespmem:s13], [sflag:$0x1] =	stream.indirect_vreg.gather [hbm4b:s4+s3], $0x80, v3, vm0, $0xb8;
	[tilespmem:$0x12180] =	vst v63  }
0x4f: {  	_ = 	snop  }
0x50: {  	[tilespmem:s14], [sflag:$0x1] =	stream.indirect_vreg.gather [hbm4b:s5+s3], $0x80, v3, vm0, $0xb8;
	[tilespmem:$0x12180] =	vst v63  }
0x51: {  	v3 =	vld [tilespmem:$0x30];
	_ =	sdelay $0x4  }
0x52: {  	v49 =	vshrl.u32 v3, $0x3  }
0x53: {  	v4 =	vmul.u32 $0x30, v49  }
0x54: {  	v3 =	vand.u32 $0x7, v3  }
0x55: {  	v3 =	vor.u32 v3, v4  }
0x56: {  	v4 =	vperm.xlane v3, v0;
	_ =	sdelay $0x1  }
0x57: {  	v4 =	vadd.s32 v1, v4;
	_ =	sdelay $0x3  }
0x58: {  	v3 =	vperm.xlane v3, v2  }
0x59: {  	[tilespmem:s15], [sflag:$0x1] =	stream.indirect_vreg.gather [hbm4b:s2+s3], $0x80, v4, vm0, $0xb8;
	[tilespmem:$0x12180] =	vst v63  }
0x5a: {  	v3 =	vadd.s32 v1, v3  }
0x5b: {  	[tilespmem:s16], [sflag:$0x1] =	stream.indirect_vreg.gather [hbm4b:s4+s3], $0x80, v4, vm0, $0xb8;
	[tilespmem:$0x12180] =	vst v63  }
0x5c: {  	_ = 	snop  }
0x5d: {  	[tilespmem:s17], [sflag:$0x1] =	stream.indirect_vreg.gather [hbm4b:s5+s3], $0x80, v4, vm0, $0xb8;
	[tilespmem:$0x12180] =	vst v63  }
0x5e: {  	_ = 	snop  }
0x5f: {  	[tilespmem:s18], [sflag:$0x1] =	stream.indirect_vreg.gather [hbm4b:s2+s3], $0x80, v3, vm0, $0xb8;
	[tilespmem:$0x12180] =	vst v63  }
0x60: {  	_ = 	snop  }
0x61: {  	[tilespmem:s19], [sflag:$0x1] =	stream.indirect_vreg.gather [hbm4b:s4+s3], $0x80, v3, vm0, $0xb8;
	[tilespmem:$0x12180] =	vst v63  }
0x62: {  	s8 =	simm.s32 $0xB980  }
0x63: {  	[tilespmem:s8], [sflag:$0x1] =	stream.indirect_vreg.gather [hbm4b:s5+s3], $0x80, v3, vm0, $0xb8;
	[tilespmem:$0x12180] =	vst v63  }
0x64: {  	v3 =	vld [tilespmem:$0x40];
	_ =	sdelay $0x4  }
0x65: {  	v50 =	vshrl.u32 v3, $0x3  }
0x66: {  	v4 =	vmul.u32 $0x30, v50  }
0x67: {  	v3 =	vand.u32 $0x7, v3  }
0x68: {  	v3 =	vor.u32 v3, v4  }
0x69: {  	v4 =	vperm.xlane v3, v0;
	_ =	sdelay $0x1  }
0x6a: {  	v4 =	vadd.s32 v1, v4;
	_ =	sdelay $0x3  }
0x6b: {  	s21 =	simm.s32 $0xC180;
	v3 =	vperm.xlane v3, v2  }
0x6c: {  	[tilespmem:s21], [sflag:$0x1] =	stream.indirect_vreg.gather [hbm4b:s2+s3], $0x80, v4, vm0, $0xb8;
	[tilespmem:$0x12180] =	vst v63  }
0x6d: {  	v3 =	vadd.s32 v1, v3;
	s21 =	simm.s32 $0xC980  }
0x6e: {  	[tilespmem:s21], [sflag:$0x1] =	stream.indirect_vreg.gather [hbm4b:s4+s3], $0x80, v4, vm0, $0xb8;
	[tilespmem:$0x12180] =	vst v63  }
0x6f: {  	s21 =	simm.s32 $0xD180  }
0x70: {  	[tilespmem:s21], [sflag:$0x1] =	stream.indirect_vreg.gather [hbm4b:s5+s3], $0x80, v4, vm0, $0xb8;
	[tilespmem:$0x12180] =	vst v63  }
0x71: {  	s21 =	simm.s32 $0xD980  }
0x72: {  	[tilespmem:s21], [sflag:$0x1] =	stream.indirect_vreg.gather [hbm4b:s2+s3], $0x80, v3, vm0, $0xb8;
	[tilespmem:$0x12180] =	vst v63  }
0x73: {  	s21 =	simm.s32 $0xE180  }
0x74: {  	[tilespmem:s21], [sflag:$0x1] =	stream.indirect_vreg.gather [hbm4b:s4+s3], $0x80, v3, vm0, $0xb8;
	[tilespmem:$0x12180] =	vst v63  }
0x75: {  	s21 =	simm.s32 $0xE980  }
0x76: {  	[tilespmem:s21], [sflag:$0x1] =	stream.indirect_vreg.gather [hbm4b:s5+s3], $0x80, v3, vm0, $0xb8;
	[tilespmem:$0x12180] =	vst v63  }
0x77: {  	v3 =	vld [tilespmem:$0x50];
	_ =	sdelay $0x4  }
0x78: {  	v51 =	vshrl.u32 v3, $0x3  }
0x79: {  	v4 =	vmul.u32 $0x30, v51  }
0x7a: {  	v3 =	vand.u32 $0x7, v3  }
0x7b: {  	v3 =	vor.u32 v3, v4  }
0x7c: {  	v4 =	vperm.xlane v3, v0;
	_ =	sdelay $0x1  }
0x7d: {  	v4 =	vadd.s32 v1, v4;
	_ =	sdelay $0x3  }
0x7e: {  	s21 =	simm.s32 $0xF180;
	v3 =	vperm.xlane v3, v2  }
0x7f: {  	[tilespmem:s21], [sflag:$0x1] =	stream.indirect_vreg.gather [hbm4b:s2+s3], $0x80, v4, vm0, $0xb8;
	[tilespmem:$0x12180] =	vst v63  }
0x80: {  	v3 =	vadd.s32 v1, v3;
	s21 =	simm.s32 $0xF980  }
0x81: {  	[tilespmem:s21], [sflag:$0x1] =	stream.indirect_vreg.gather [hbm4b:s4+s3], $0x80, v4, vm0, $0xb8;
	[tilespmem:$0x12180] =	vst v63  }
0x82: {  	s21 =	simm.s32 $0x10180  }
0x83: {  	[tilespmem:s21], [sflag:$0x1] =	stream.indirect_vreg.gather [hbm4b:s5+s3], $0x80, v4, vm0, $0xb8;
	[tilespmem:$0x12180] =	vst v63  }
0x84: {  	s21 =	simm.s32 $0x10980  }
0x85: {  	[tilespmem:s21], [sflag:$0x1] =	stream.indirect_vreg.gather [hbm4b:s2+s3], $0x80, v3, vm0, $0xb8;
	[tilespmem:$0x12180] =	vst v63  }
0x86: {  	s21 =	simm.s32 $0x11180  }
0x87: {  	[tilespmem:s21], [sflag:$0x1] =	stream.indirect_vreg.gather [hbm4b:s4+s3], $0x80, v3, vm0, $0xb8;
	[tilespmem:$0x12180] =	vst v63  }
0x88: {  	s21 =	simm.s32 $0x11980  }
0x89: {  	[tilespmem:s21], [sflag:$0x1] =	stream.indirect_vreg.gather [hbm4b:s5+s3], $0x80, v3, vm0, $0xb8;
	[tilespmem:$0x12180] =	vst v63  }
0x8a: {  	_ =	swait.ge [sflag:s20], $0x12000  }
0x8b: {  	[sflag:s20] =	ssyncset.done $0x0  }
0x8c: {  	s21 =	rddreg [dreg:$0x5];
	[sflag:s20] =	ssyncadd.s32 $0xFFFEE000  }
0x8d: {  	[hbm4b:s21+s3] =	stream.linear.scatter [tilespmem:s0], [sflag:$0x2], $0x12000, $0x38;
	[tilespmem:$0x12180] =	vst v63  }
0x8e: {  	_ =	swait.ge [sflag:s7], $0x12000  }
0x8f: {  	[sflag:s7] =	ssyncset.done $0x0  }
0x90: {  	[sflag:s7] =	ssyncadd.s32 $0xFFFEE000  }
0x91: {  	v3 =	vld [tilespmem:$0x60];
	_ =	sdelay $0x4  }
0x92: {  	v52 =	vshrl.u32 v3, $0x3  }
0x93: {  	v4 =	vmul.u32 $0x30, v52  }
0x94: {  	v3 =	vand.u32 $0x7, v3  }
0x95: {  	v3 =	vor.u32 v3, v4  }
0x96: {  	v4 =	vperm.xlane v3, v0;
	_ =	sdelay $0x1  }
0x97: {  	v4 =	vadd.s32 v1, v4;
	_ =	sdelay $0x3  }
0x98: {  	v3 =	vperm.xlane v3, v2  }
0x99: {  	[tilespmem:s0], [sflag:$0x1] =	stream.indirect_vreg.gather [hbm4b:s2+s3], $0x80, v4, vm0, $0xb8;
	[tilespmem:$0x12180] =	vst v63  }
0x9a: {  	v3 =	vadd.s32 v1, v3  }
0x9b: {  	[tilespmem:s22], [sflag:$0x1] =	stream.indirect_vreg.gather [hbm4b:s4+s3], $0x80, v4, vm0, $0xb8;
	[tilespmem:$0x12180] =	vst v63  }
0x9c: {  	_ = 	snop  }
0x9d: {  	[tilespmem:s23], [sflag:$0x1] =	stream.indirect_vreg.gather [hbm4b:s5+s3], $0x80, v4, vm0, $0xb8;
	[tilespmem:$0x12180] =	vst v63  }
0x9e: {  	_ = 	snop  }
0x9f: {  	[tilespmem:s24], [sflag:$0x1] =	stream.indirect_vreg.gather [hbm4b:s2+s3], $0x80, v3, vm0, $0xb8;
	[tilespmem:$0x12180] =	vst v63  }
0xa0: {  	_ = 	snop  }
0xa1: {  	[tilespmem:s25], [sflag:$0x1] =	stream.indirect_vreg.gather [hbm4b:s4+s3], $0x80, v3, vm0, $0xb8;
	[tilespmem:$0x12180] =	vst v63  }
0xa2: {  	_ = 	snop  }
0xa3: {  	[tilespmem:s26], [sflag:$0x1] =	stream.indirect_vreg.gather [hbm4b:s5+s3], $0x80, v3, vm0, $0xb8;
	[tilespmem:$0x12180] =	vst v63  }
0xa4: {  	v3 =	vld [tilespmem:$0x70];
	_ =	sdelay $0x4  }
0xa5: {  	v53 =	vshrl.u32 v3, $0x3  }
0xa6: {  	v4 =	vmul.u32 $0x30, v53  }
0xa7: {  	v3 =	vand.u32 $0x7, v3  }
0xa8: {  	v3 =	vor.u32 v3, v4  }
0xa9: {  	v4 =	vperm.xlane v3, v0;
	_ =	sdelay $0x1  }
0xaa: {  	v4 =	vadd.s32 v1, v4;
	_ =	sdelay $0x3  }
0xab: {  	v3 =	vperm.xlane v3, v2  }
0xac: {  	[tilespmem:s28], [sflag:$0x1] =	stream.indirect_vreg.gather [hbm4b:s2+s3], $0x80, v4, vm0, $0xb8;
	[tilespmem:$0x12180] =	vst v63  }
0xad: {  	v3 =	vadd.s32 v1, v3  }
0xae: {  	[tilespmem:s29], [sflag:$0x1] =	stream.indirect_vreg.gather [hbm4b:s4+s3], $0x80, v4, vm0, $0xb8;
	[tilespmem:$0x12180] =	vst v63  }
0xaf: {  	_ = 	snop  }
0xb0: {  	[tilespmem:s30], [sflag:$0x1] =	stream.indirect_vreg.gather [hbm4b:s5+s3], $0x80, v4, vm0, $0xb8;
	[tilespmem:$0x12180] =	vst v63  }
0xb1: {  	_ = 	snop  }
0xb2: {  	[tilespmem:s31], [sflag:$0x1] =	stream.indirect_vreg.gather [hbm4b:s2+s3], $0x80, v3, vm0, $0xb8;
	[tilespmem:$0x12180] =	vst v63  }
0xb3: {  	_ = 	snop  }
0xb4: {  	[tilespmem:s1], [sflag:$0x1] =	stream.indirect_vreg.gather [hbm4b:s4+s3], $0x80, v3, vm0, $0xb8;
	[tilespmem:$0x12180] =	vst v63  }
0xb5: {  	s21 =	simm.s32 $0x5980  }
0xb6: {  	[tilespmem:s21], [sflag:$0x1] =	stream.indirect_vreg.gather [hbm4b:s5+s3], $0x80, v3, vm0, $0xb8;
	[tilespmem:$0x12180] =	vst v63  }
0xb7: {  	v3 =	vld [tilespmem:$0x80];
	_ =	sdelay $0x4  }
0xb8: {  	v54 =	vshrl.u32 v3, $0x3  }
0xb9: {  	v4 =	vmul.u32 $0x30, v54  }
0xba: {  	v3 =	vand.u32 $0x7, v3  }
0xbb: {  	v3 =	vor.u32 v3, v4  }
0xbc: {  	v4 =	vperm.xlane v3, v0;
	_ =	sdelay $0x1  }
0xbd: {  	v4 =	vadd.s32 v1, v4;
	_ =	sdelay $0x3  }
0xbe: {  	v3 =	vperm.xlane v3, v2  }
0xbf: {  	[tilespmem:s9], [sflag:$0x1] =	stream.indirect_vreg.gather [hbm4b:s2+s3], $0x80, v4, vm0, $0xb8;
	[tilespmem:$0x12180] =	vst v63  }
0xc0: {  	v3 =	vadd.s32 v1, v3  }
0xc1: {  	[tilespmem:s10], [sflag:$0x1] =	stream.indirect_vreg.gather [hbm4b:s4+s3], $0x80, v4, vm0, $0xb8;
	[tilespmem:$0x12180] =	vst v63  }
0xc2: {  	_ = 	snop  }
0xc3: {  	[tilespmem:s11], [sflag:$0x1] =	stream.indirect_vreg.gather [hbm4b:s5+s3], $0x80, v4, vm0, $0xb8;
	[tilespmem:$0x12180] =	vst v63  }
0xc4: {  	_ = 	snop  }
0xc5: {  	[tilespmem:s12], [sflag:$0x1] =	stream.indirect_vreg.gather [hbm4b:s2+s3], $0x80, v3, vm0, $0xb8;
	[tilespmem:$0x12180] =	vst v63  }
0xc6: {  	_ = 	snop  }
0xc7: {  	[tilespmem:s13], [sflag:$0x1] =	stream.indirect_vreg.gather [hbm4b:s4+s3], $0x80, v3, vm0, $0xb8;
	[tilespmem:$0x12180] =	vst v63  }
0xc8: {  	_ = 	snop  }
0xc9: {  	[tilespmem:s14], [sflag:$0x1] =	stream.indirect_vreg.gather [hbm4b:s5+s3], $0x80, v3, vm0, $0xb8;
	[tilespmem:$0x12180] =	vst v63  }
0xca: {  	v3 =	vld [tilespmem:$0x90];
	_ =	sdelay $0x4  }
0xcb: {  	v55 =	vshrl.u32 v3, $0x3  }
0xcc: {  	v4 =	vmul.u32 $0x30, v55  }
0xcd: {  	v3 =	vand.u32 $0x7, v3  }
0xce: {  	v3 =	vor.u32 v3, v4  }
0xcf: {  	v4 =	vperm.xlane v3, v0;
	_ =	sdelay $0x1  }
0xd0: {  	v4 =	vadd.s32 v1, v4;
	_ =	sdelay $0x3  }
0xd1: {  	v3 =	vperm.xlane v3, v2  }
0xd2: {  	[tilespmem:s15], [sflag:$0x1] =	stream.indirect_vreg.gather [hbm4b:s2+s3], $0x80, v4, vm0, $0xb8;
	[tilespmem:$0x12180] =	vst v63  }
0xd3: {  	v3 =	vadd.s32 v1, v3  }
0xd4: {  	[tilespmem:s16], [sflag:$0x1] =	stream.indirect_vreg.gather [hbm4b:s4+s3], $0x80, v4, vm0, $0xb8;
	[tilespmem:$0x12180] =	vst v63  }
0xd5: {  	_ = 	snop  }
0xd6: {  	[tilespmem:s17], [sflag:$0x1] =	stream.indirect_vreg.gather [hbm4b:s5+s3], $0x80, v4, vm0, $0xb8;
	[tilespmem:$0x12180] =	vst v63  }
0xd7: {  	_ = 	snop  }
0xd8: {  	[tilespmem:s18], [sflag:$0x1] =	stream.indirect_vreg.gather [hbm4b:s2+s3], $0x80, v3, vm0, $0xb8;
	[tilespmem:$0x12180] =	vst v63  }
0xd9: {  	_ = 	snop  }
0xda: {  	[tilespmem:s19], [sflag:$0x1] =	stream.indirect_vreg.gather [hbm4b:s4+s3], $0x80, v3, vm0, $0xb8;
	[tilespmem:$0x12180] =	vst v63  }
0xdb: {  	_ = 	snop  }
0xdc: {  	[tilespmem:s8], [sflag:$0x1] =	stream.indirect_vreg.gather [hbm4b:s5+s3], $0x80, v3, vm0, $0xb8;
	[tilespmem:$0x12180] =	vst v63  }
0xdd: {  	v3 =	vld [tilespmem:$0xA0];
	_ =	sdelay $0x4  }
0xde: {  	v56 =	vshrl.u32 v3, $0x3  }
0xdf: {  	v4 =	vmul.u32 $0x30, v56  }
0xe0: {  	v3 =	vand.u32 $0x7, v3  }
0xe1: {  	v3 =	vor.u32 v3, v4  }
0xe2: {  	v4 =	vperm.xlane v3, v0;
	_ =	sdelay $0x1  }
0xe3: {  	v4 =	vadd.s32 v1, v4;
	_ =	sdelay $0x3  }
0xe4: {  	s21 =	simm.s32 $0xC180;
	v3 =	vperm.xlane v3, v2  }
0xe5: {  	[tilespmem:s21], [sflag:$0x1] =	stream.indirect_vreg.gather [hbm4b:s2+s3], $0x80, v4, vm0, $0xb8;
	[tilespmem:$0x12180] =	vst v63  }
0xe6: {  	v3 =	vadd.s32 v1, v3;
	s21 =	simm.s32 $0xC980  }
0xe7: {  	[tilespmem:s21], [sflag:$0x1] =	stream.indirect_vreg.gather [hbm4b:s4+s3], $0x80, v4, vm0, $0xb8;
	[tilespmem:$0x12180] =	vst v63  }
0xe8: {  	s21 =	simm.s32 $0xD180  }
0xe9: {  	[tilespmem:s21], [sflag:$0x1] =	stream.indirect_vreg.gather [hbm4b:s5+s3], $0x80, v4, vm0, $0xb8;
	[tilespmem:$0x12180] =	vst v63  }
0xea: {  	s21 =	simm.s32 $0xD980  }
0xeb: {  	[tilespmem:s21], [sflag:$0x1] =	stream.indirect_vreg.gather [hbm4b:s2+s3], $0x80, v3, vm0, $0xb8;
	[tilespmem:$0x12180] =	vst v63  }
0xec: {  	s21 =	simm.s32 $0xE180  }
0xed: {  	[tilespmem:s21], [sflag:$0x1] =	stream.indirect_vreg.gather [hbm4b:s4+s3], $0x80, v3, vm0, $0xb8;
	[tilespmem:$0x12180] =	vst v63  }
0xee: {  	s21 =	simm.s32 $0xE980  }
0xef: {  	[tilespmem:s21], [sflag:$0x1] =	stream.indirect_vreg.gather [hbm4b:s5+s3], $0x80, v3, vm0, $0xb8;
	[tilespmem:$0x12180] =	vst v63  }
0xf0: {  	v3 =	vld [tilespmem:$0xB0];
	_ =	sdelay $0x4  }
0xf1: {  	v57 =	vshrl.u32 v3, $0x3  }
0xf2: {  	v4 =	vmul.u32 $0x30, v57  }
0xf3: {  	v3 =	vand.u32 $0x7, v3  }
0xf4: {  	v3 =	vor.u32 v3, v4  }
0xf5: {  	v4 =	vperm.xlane v3, v0;
	_ =	sdelay $0x1  }
0xf6: {  	v4 =	vadd.s32 v1, v4;
	_ =	sdelay $0x3  }
0xf7: {  	s21 =	simm.s32 $0xF180;
	v3 =	vperm.xlane v3, v2  }
0xf8: {  	[tilespmem:s21], [sflag:$0x1] =	stream.indirect_vreg.gather [hbm4b:s2+s3], $0x80, v4, vm0, $0xb8;
	[tilespmem:$0x12180] =	vst v63  }
0xf9: {  	v3 =	vadd.s32 v1, v3;
	s21 =	simm.s32 $0xF980  }
0xfa: {  	[tilespmem:s21], [sflag:$0x1] =	stream.indirect_vreg.gather [hbm4b:s4+s3], $0x80, v4, vm0, $0xb8;
	[tilespmem:$0x12180] =	vst v63  }
0xfb: {  	s21 =	simm.s32 $0x10180  }
0xfc: {  	[tilespmem:s21], [sflag:$0x1] =	stream.indirect_vreg.gather [hbm4b:s5+s3], $0x80, v4, vm0, $0xb8;
	[tilespmem:$0x12180] =	vst v63  }
0xfd: {  	s21 =	simm.s32 $0x10980  }
0xfe: {  	[tilespmem:s21], [sflag:$0x1] =	stream.indirect_vreg.gather [hbm4b:s2+s3], $0x80, v3, vm0, $0xb8;
	[tilespmem:$0x12180] =	vst v63  }
0xff: {  	s21 =	simm.s32 $0x11180  }
0x100: {  	[tilespmem:s21], [sflag:$0x1] =	stream.indirect_vreg.gather [hbm4b:s4+s3], $0x80, v3, vm0, $0xb8;
	[tilespmem:$0x12180] =	vst v63  }
0x101: {  	s21 =	simm.s32 $0x11980  }
0x102: {  	[tilespmem:s21], [sflag:$0x1] =	stream.indirect_vreg.gather [hbm4b:s5+s3], $0x80, v3, vm0, $0xb8;
	[tilespmem:$0x12180] =	vst v63  }
0x103: {  	_ =	swait.ge [sflag:s20], $0x12000  }
0x104: {  	[sflag:s20] =	ssyncset.done $0x0  }
0x105: {  	s21 =	rddreg [dreg:$0x6];
	[sflag:s20] =	ssyncadd.s32 $0xFFFEE000  }
0x106: {  	[hbm4b:s21+s3] =	stream.linear.scatter [tilespmem:s0], [sflag:$0x2], $0x12000, $0x38;
	[tilespmem:$0x12180] =	vst v63  }
0x107: {  	_ =	swait.ge [sflag:s7], $0x12000  }
0x108: {  	[sflag:s7] =	ssyncset.done $0x0  }
0x109: {  	[sflag:s7] =	ssyncadd.s32 $0xFFFEE000  }
0x10a: {  	v3 =	vld [tilespmem:$0xC0];
	_ =	sdelay $0x4  }
0x10b: {  	v58 =	vshrl.u32 v3, $0x3  }
0x10c: {  	v4 =	vmul.u32 $0x30, v58  }
0x10d: {  	v3 =	vand.u32 $0x7, v3  }
0x10e: {  	v3 =	vor.u32 v3, v4  }
0x10f: {  	v4 =	vperm.xlane v3, v0;
	_ =	sdelay $0x1  }
0x110: {  	v4 =	vadd.s32 v1, v4;
	_ =	sdelay $0x3  }
0x111: {  	v3 =	vperm.xlane v3, v2  }
0x112: {  	[tilespmem:s0], [sflag:$0x1] =	stream.indirect_vreg.gather [hbm4b:s2+s3], $0x80, v4, vm0, $0xb8;
	[tilespmem:$0x12180] =	vst v63  }
0x113: {  	v3 =	vadd.s32 v1, v3  }
0x114: {  	[tilespmem:s22], [sflag:$0x1] =	stream.indirect_vreg.gather [hbm4b:s4+s3], $0x80, v4, vm0, $0xb8;
	[tilespmem:$0x12180] =	vst v63  }
0x115: {  	_ = 	snop  }
0x116: {  	[tilespmem:s23], [sflag:$0x1] =	stream.indirect_vreg.gather [hbm4b:s5+s3], $0x80, v4, vm0, $0xb8;
	[tilespmem:$0x12180] =	vst v63  }
0x117: {  	_ = 	snop  }
0x118: {  	[tilespmem:s24], [sflag:$0x1] =	stream.indirect_vreg.gather [hbm4b:s2+s3], $0x80, v3, vm0, $0xb8;
	[tilespmem:$0x12180] =	vst v63  }
0x119: {  	_ = 	snop  }
0x11a: {  	[tilespmem:s25], [sflag:$0x1] =	stream.indirect_vreg.gather [hbm4b:s4+s3], $0x80, v3, vm0, $0xb8;
	[tilespmem:$0x12180] =	vst v63  }
0x11b: {  	_ = 	snop  }
0x11c: {  	[tilespmem:s26], [sflag:$0x1] =	stream.indirect_vreg.gather [hbm4b:s5+s3], $0x80, v3, vm0, $0xb8;
	[tilespmem:$0x12180] =	vst v63  }
0x11d: {  	v3 =	vld [tilespmem:$0xD0];
	_ =	sdelay $0x4  }
0x11e: {  	v59 =	vshrl.u32 v3, $0x3  }
0x11f: {  	v4 =	vmul.u32 $0x30, v59  }
0x120: {  	v3 =	vand.u32 $0x7, v3  }
0x121: {  	v3 =	vor.u32 v3, v4  }
0x122: {  	v4 =	vperm.xlane v3, v0;
	_ =	sdelay $0x1  }
0x123: {  	v4 =	vadd.s32 v1, v4;
	_ =	sdelay $0x3  }
0x124: {  	v3 =	vperm.xlane v3, v2  }
0x125: {  	[tilespmem:s28], [sflag:$0x1] =	stream.indirect_vreg.gather [hbm4b:s2+s3], $0x80, v4, vm0, $0xb8;
	[tilespmem:$0x12180] =	vst v63  }
0x126: {  	v3 =	vadd.s32 v1, v3  }
0x127: {  	[tilespmem:s29], [sflag:$0x1] =	stream.indirect_vreg.gather [hbm4b:s4+s3], $0x80, v4, vm0, $0xb8;
	[tilespmem:$0x12180] =	vst v63  }
0x128: {  	_ = 	snop  }
0x129: {  	[tilespmem:s30], [sflag:$0x1] =	stream.indirect_vreg.gather [hbm4b:s5+s3], $0x80, v4, vm0, $0xb8;
	[tilespmem:$0x12180] =	vst v63  }
0x12a: {  	_ = 	snop  }
0x12b: {  	[tilespmem:s31], [sflag:$0x1] =	stream.indirect_vreg.gather [hbm4b:s2+s3], $0x80, v3, vm0, $0xb8;
	[tilespmem:$0x12180] =	vst v63  }
0x12c: {  	_ = 	snop  }
0x12d: {  	[tilespmem:s1], [sflag:$0x1] =	stream.indirect_vreg.gather [hbm4b:s4+s3], $0x80, v3, vm0, $0xb8;
	[tilespmem:$0x12180] =	vst v63  }
0x12e: {  	s21 =	simm.s32 $0x5980  }
0x12f: {  	[tilespmem:s21], [sflag:$0x1] =	stream.indirect_vreg.gather [hbm4b:s5+s3], $0x80, v3, vm0, $0xb8;
	[tilespmem:$0x12180] =	vst v63  }
0x130: {  	v3 =	vld [tilespmem:$0xE0];
	_ =	sdelay $0x4  }
0x131: {  	v60 =	vshrl.u32 v3, $0x3  }
0x132: {  	v4 =	vmul.u32 $0x30, v60  }
0x133: {  	v3 =	vand.u32 $0x7, v3  }
0x134: {  	v3 =	vor.u32 v3, v4  }
0x135: {  	v4 =	vperm.xlane v3, v0;
	_ =	sdelay $0x1  }
0x136: {  	v4 =	vadd.s32 v1, v4;
	_ =	sdelay $0x3  }
0x137: {  	v3 =	vperm.xlane v3, v2  }
0x138: {  	[tilespmem:s9], [sflag:$0x1] =	stream.indirect_vreg.gather [hbm4b:s2+s3], $0x80, v4, vm0, $0xb8;
	[tilespmem:$0x12180] =	vst v63  }
0x139: {  	v3 =	vadd.s32 v1, v3  }
0x13a: {  	[tilespmem:s10], [sflag:$0x1] =	stream.indirect_vreg.gather [hbm4b:s4+s3], $0x80, v4, vm0, $0xb8;
	[tilespmem:$0x12180] =	vst v63  }
0x13b: {  	_ = 	snop  }
0x13c: {  	[tilespmem:s11], [sflag:$0x1] =	stream.indirect_vreg.gather [hbm4b:s5+s3], $0x80, v4, vm0, $0xb8;
	[tilespmem:$0x12180] =	vst v63  }
0x13d: {  	_ = 	snop  }
0x13e: {  	[tilespmem:s12], [sflag:$0x1] =	stream.indirect_vreg.gather [hbm4b:s2+s3], $0x80, v3, vm0, $0xb8;
	[tilespmem:$0x12180] =	vst v63  }
0x13f: {  	_ = 	snop  }
0x140: {  	[tilespmem:s13], [sflag:$0x1] =	stream.indirect_vreg.gather [hbm4b:s4+s3], $0x80, v3, vm0, $0xb8;
	[tilespmem:$0x12180] =	vst v63  }
0x141: {  	_ = 	snop  }
0x142: {  	[tilespmem:s14], [sflag:$0x1] =	stream.indirect_vreg.gather [hbm4b:s5+s3], $0x80, v3, vm0, $0xb8;
	[tilespmem:$0x12180] =	vst v63  }
0x143: {  	v3 =	vld [tilespmem:$0xF0];
	_ =	sdelay $0x4  }
0x144: {  	v61 =	vshrl.u32 v3, $0x3  }
0x145: {  	v4 =	vmul.u32 $0x30, v61  }
0x146: {  	v3 =	vand.u32 $0x7, v3  }
0x147: {  	v3 =	vor.u32 v3, v4  }
0x148: {  	v4 =	vperm.xlane v3, v0;
	_ =	sdelay $0x1  }
0x149: {  	v4 =	vadd.s32 v1, v4;
	_ =	sdelay $0x3  }
0x14a: {  	v3 =	vperm.xlane v3, v2  }
0x14b: {  	[tilespmem:s15], [sflag:$0x1] =	stream.indirect_vreg.gather [hbm4b:s2+s3], $0x80, v4, vm0, $0xb8;
	[tilespmem:$0x12180] =	vst v63  }
0x14c: {  	v3 =	vadd.s32 v1, v3  }
0x14d: {  	[tilespmem:s16], [sflag:$0x1] =	stream.indirect_vreg.gather [hbm4b:s4+s3], $0x80, v4, vm0, $0xb8;
	[tilespmem:$0x12180] =	vst v63  }
0x14e: {  	_ = 	snop  }
0x14f: {  	[tilespmem:s17], [sflag:$0x1] =	stream.indirect_vreg.gather [hbm4b:s5+s3], $0x80, v4, vm0, $0xb8;
	[tilespmem:$0x12180] =	vst v63  }
0x150: {  	_ = 	snop  }
0x151: {  	[tilespmem:s18], [sflag:$0x1] =	stream.indirect_vreg.gather [hbm4b:s2+s3], $0x80, v3, vm0, $0xb8;
	[tilespmem:$0x12180] =	vst v63  }
0x152: {  	_ = 	snop  }
0x153: {  	[tilespmem:s19], [sflag:$0x1] =	stream.indirect_vreg.gather [hbm4b:s4+s3], $0x80, v3, vm0, $0xb8;
	[tilespmem:$0x12180] =	vst v63  }
0x154: {  	_ = 	snop  }
0x155: {  	[tilespmem:s8], [sflag:$0x1] =	stream.indirect_vreg.gather [hbm4b:s5+s3], $0x80, v3, vm0, $0xb8;
	[tilespmem:$0x12180] =	vst v63  }
0x156: {  	v3 =	vld [tilespmem:$0x100];
	_ =	sdelay $0x4  }
0x157: {  	v62 =	vshrl.u32 v3, $0x3  }
0x158: {  	v4 =	vmul.u32 $0x30, v62  }
0x159: {  	v3 =	vand.u32 $0x7, v3  }
0x15a: {  	v3 =	vor.u32 v3, v4  }
0x15b: {  	v4 =	vperm.xlane v3, v0;
	_ =	sdelay $0x1  }
0x15c: {  	v4 =	vadd.s32 v1, v4;
	_ =	sdelay $0x3  }
0x15d: {  	s8 =	simm.s32 $0xC180;
	v3 =	vperm.xlane v3, v2  }
0x15e: {  	[tilespmem:s8], [sflag:$0x1] =	stream.indirect_vreg.gather [hbm4b:s2+s3], $0x80, v4, vm0, $0xb8;
	[tilespmem:$0x12180] =	vst v63  }
0x15f: {  	s21 =	simm.s32 $0xC980;
	v3 =	vadd.s32 v1, v3  }
0x160: {  	[tilespmem:s21], [sflag:$0x1] =	stream.indirect_vreg.gather [hbm4b:s4+s3], $0x80, v4, vm0, $0xb8;
	[tilespmem:$0x12180] =	vst v63  }
0x161: {  	s8 =	simm.s32 $0xD180  }
0x162: {  	[tilespmem:s8], [sflag:$0x1] =	stream.indirect_vreg.gather [hbm4b:s5+s3], $0x80, v4, vm0, $0xb8;
	[tilespmem:$0x12180] =	vst v63  }
0x163: {  	s21 =	simm.s32 $0xD980  }
0x164: {  	[tilespmem:s21], [sflag:$0x1] =	stream.indirect_vreg.gather [hbm4b:s2+s3], $0x80, v3, vm0, $0xb8;
	[tilespmem:$0x12180] =	vst v63  }
0x165: {  	s8 =	simm.s32 $0xE180  }
0x166: {  	[tilespmem:s8], [sflag:$0x1] =	stream.indirect_vreg.gather [hbm4b:s4+s3], $0x80, v3, vm0, $0xb8;
	[tilespmem:$0x12180] =	vst v63  }
0x167: {  	s21 =	simm.s32 $0xE980  }
0x168: {  	[tilespmem:s21], [sflag:$0x1] =	stream.indirect_vreg.gather [hbm4b:s5+s3], $0x80, v3, vm0, $0xb8;
	[tilespmem:$0x12180] =	vst v63  }
0x169: {  	v3 =	vld [tilespmem:$0x110];
	_ =	sdelay $0x4  }
0x16a: {  	v63 =	vshrl.u32 v3, $0x3  }
0x16b: {  	v4 =	vmul.u32 $0x30, v63  }
0x16c: {  	v3 =	vand.u32 $0x7, v3  }
0x16d: {  	v3 =	vor.u32 v3, v4  }
0x16e: {  	v4 =	vperm.xlane v3, v0;
	_ =	sdelay $0x1  }
0x16f: {  	v4 =	vadd.s32 v1, v4;
	_ =	sdelay $0x3  }
0x170: {  	s8 =	simm.s32 $0xF180;
	v3 =	vperm.xlane v3, v2  }
0x171: {  	[tilespmem:s8], [sflag:$0x1] =	stream.indirect_vreg.gather [hbm4b:s2+s3], $0x80, v4, vm0, $0xb8;
	[tilespmem:$0x12180] =	vst v63  }
0x172: {  	s21 =	simm.s32 $0xF980;
	v3 =	vadd.s32 v1, v3  }
0x173: {  	[tilespmem:s21], [sflag:$0x1] =	stream.indirect_vreg.gather [hbm4b:s4+s3], $0x80, v4, vm0, $0xb8;
	[tilespmem:$0x12180] =	vst v63  }
0x174: {  	s8 =	simm.s32 $0x10180  }
0x175: {  	[tilespmem:s8], [sflag:$0x1] =	stream.indirect_vreg.gather [hbm4b:s5+s3], $0x80, v4, vm0, $0xb8;
	[tilespmem:$0x12180] =	vst v63  }
0x176: {  	s21 =	simm.s32 $0x10980  }
0x177: {  	[tilespmem:s21], [sflag:$0x1] =	stream.indirect_vreg.gather [hbm4b:s2+s3], $0x80, v3, vm0, $0xb8;
	[tilespmem:$0x12180] =	vst v63  }
0x178: {  	s8 =	simm.s32 $0x11180  }
0x179: {  	[tilespmem:s8], [sflag:$0x1] =	stream.indirect_vreg.gather [hbm4b:s4+s3], $0x80, v3, vm0, $0xb8;
	[tilespmem:$0x12180] =	vst v63  }
0x17a: {  	s21 =	simm.s32 $0x11980  }
0x17b: {  	[tilespmem:s21], [sflag:$0x1] =	stream.indirect_vreg.gather [hbm4b:s5+s3], $0x80, v3, vm0, $0xb8;
	[tilespmem:$0x12180] =	vst v63  }
0x17c: {  	_ =	swait.ge [sflag:s20], $0x12000  }
0x17d: {  	p0 =	sne.s32 s6, $0x1;
	[sflag:s20] =	ssyncset.done $0x0  }
.Ltmp0:
0x17e: {  	s8 =	rddreg [dreg:$0x7];
	[sflag:s20] =	ssyncadd.s32 $0xFFFEE000;
	(pc) =	sbr.rel @p0 .LBB2_1-.Ltmp0, $4  }
0x17f: {  	[hbm4b:s8+s3] =	stream.linear.scatter [tilespmem:s0], [sflag:$0x2], $0x12000, $0x38;
	[tilespmem:$0x12180] =	vst v63  }
0x180: {  	_ =	swait.ge [sflag:s7], $0x12000  }
0x181: {  	[sflag:s7] =	ssyncset.done $0x0  }
0x182: {  	s6 =	sadd.s32 $0xFFFFFFFF, s6;
	[sflag:s7] =	ssyncadd.s32 $0xFFFEE000  }
0x183: {  	_ =	sfence.sel $0x180000  }
0x184: {  	[bflag:$0x0] =	sbarrier.arrive $0xFFFF  }
0x185: {  	_ =	strace $0x90000047  }
0x186: {  	s0 =	stileid.u32;
	[bflag:$0x2] =	sbarrier.arrive $0xFFFF  }
0x187: {  	p0 =	sne.s32 s0, $0x0;
	s0 =	rddreg [dreg:$0x3]  }
0x188: {  	s0 =	sadd.s32 @!p0 $0x100000, s0  }
0x189: {  	[sflag:s0] =	ssyncadd.tile.s32 @!p0 $0x1;
	_ =	shalt  }
.Lfunc_end2:
_tile_overlayer_lowered:
.L_overlay_start_2:
0x18a: {  	(tag) =	ssettag $0x2  }
0x18b: {  	s0 =	rddreg [dreg:$0x0];
	s2 =	stileid.u32  }
0x18c: {  	s1 =	rddreg [dreg:$0x1];
	p0 =	sne.s32 s2, $0x0  }
0x18d: {  	s3 =	rddreg [dreg:$0x2];
	[bflag:$0x3] =	sbarrier.arrive $0xFFFF;
	s2 =	simm.s32 @!p0 $0x1C02  }
0x18e: {  	[timem:s3], [sflag:s2] =	dma.local @!p0 [hbm:s0], s1  }
0x18f: {  	s0 =	simm.s32 @!p0 $0x2  }
0x190: {  	_ =	swait.ge @!p0 [sflag:s0], s1  }
0x191: {  	s1 =	ssub.s32 @!p0 $0x0, s1;
	[sflag:s0] =	ssyncset.done @!p0 $0x0  }
0x192: {  	[sflag:s0] =	ssyncadd.s32 @!p0 s1  }
0x193: {  	[bflag:$0x3] =	sbarrier.arrive $0xFFFF  }
0x194: {  	_ =	shalt  }

</sc_bundles>
